<compile_context>
chip_gen: v7x
topology: tpu7x:2x2x1
jax: 0.10.2.dev20260603
libtpu: 0.0.44.dev20260713+nightly
codegen_flags: <defaults>
</compile_context>

<pallas_src>
import functools

import jax
import jax.numpy as jnp
from jax import lax
from jax.experimental import pallas as pl
from jax.experimental.pallas import tpu as pltpu
from jax.experimental.pallas import tpu_sc as plsc

ACTION_SIZE = 4
POINT_SIZE = 11
EMBED_DIM = 128
LANES = 16
NUM_WORKERS = 32
BATCH = 16384
ROWS_PER_W = BATCH // NUM_WORKERS
CHUNKS_PER_W = ROWS_PER_W // LANES
BLOCK_B = 4096


def _tc_sims_body(ew_ref, av_ref, out_ref):
    ew = ew_ref[...]
    av = av_ref[0]
    num = jax.lax.dot_general(
        av, ew, (((0,), (1,)), ((), ())),
        precision=jax.lax.Precision.HIGHEST,
        preferred_element_type=jnp.float32)
    n2sq = jnp.sum(av * av, axis=0, keepdims=True).T
    out_ref[...] = num * jax.lax.rsqrt(n2sq)


def _sims_transposed(embedded_words, action_vectors):
    return pl.pallas_call(
        _tc_sims_body,
        grid=(BATCH // BLOCK_B,),
        in_specs=[
            pl.BlockSpec((BLOCK_B, EMBED_DIM), lambda i: (i, 0)),
            pl.BlockSpec((1, EMBED_DIM, POINT_SIZE), lambda i: (0, 0, 0)),
        ],
        out_specs=pl.BlockSpec((POINT_SIZE, BLOCK_B), lambda i: (0, i)),
        out_shape=jax.ShapeDtypeStruct((POINT_SIZE, BATCH), jnp.float32),
    )(embedded_words, action_vectors)


@functools.partial(
    pl.kernel,
    mesh=plsc.VectorSubcoreMesh(core_axis_name="c", subcore_axis_name="s"),
    out_type=jax.ShapeDtypeStruct((BATCH, ACTION_SIZE), jnp.float32),
    scratch_types=[
        pltpu.VMEM((POINT_SIZE, ROWS_PER_W), jnp.float32),
        pltpu.VMEM((ROWS_PER_W, ACTION_SIZE), jnp.float32),
        pltpu.SemaphoreType.DMA,
        pltpu.SemaphoreType.DMA,
    ],
    compiler_params=pltpu.CompilerParams(needs_layout_passes=False),
)
def _sc_onehot(sims_hbm, out_hbm, sims_v, oht_v, sem0, sem1):
    wid = lax.axis_index("s") * 2 + lax.axis_index("c")
    base = wid * ROWS_PER_W
    half = ROWS_PER_W // 2
    c0 = pltpu.async_copy(sims_hbm.at[:, pl.ds(base, half)],
                          sims_v.at[:, pl.ds(0, half)], sem0)
    c1 = pltpu.async_copy(sims_hbm.at[:, pl.ds(base + half, half)],
                          sims_v.at[:, pl.ds(half, half)], sem1)
    one = jnp.full((LANES,), 1.0, jnp.float32)
    zero = jnp.zeros((LANES,), jnp.float32)
    lane = lax.iota(jnp.int32, LANES)

    def chunk(i):
        s = [sims_v[p, pl.ds(i * LANES, LANES)] for p in range(POINT_SIZE)]
        p0 = jnp.maximum(jnp.maximum(s[0], s[1]), jnp.maximum(s[2], s[3]))
        p1 = jnp.maximum(jnp.maximum(jnp.maximum(s[4], s[5]),
                                     jnp.maximum(s[6], s[7])), s[8])
        p2 = s[9]
        p3 = s[10]
        best = jnp.maximum(jnp.maximum(p0, p1), jnp.maximum(p2, p3))
        w0 = p0 >= best
        w1 = (p1 >= best) & (~w0)
        w2 = (p2 >= best) & (~(w0 | w1))
        w3 = ~(w0 | w1 | w2)
        row_idx = lane + i * LANES
        for a, w in enumerate((w0, w1, w2, w3)):
            col_idx = jnp.full((LANES,), a, jnp.int32)
            plsc.store_scatter(oht_v, [row_idx, col_idx],
                               jnp.where(w, one, zero))

    c0.wait()
    plsc.parallel_loop(0, CHUNKS_PER_W // 2, 1, unroll=4)(chunk)
    c1.wait()
    plsc.parallel_loop(CHUNKS_PER_W // 2, CHUNKS_PER_W, 1, unroll=4)(chunk)
    pltpu.sync_copy(oht_v, out_hbm.at[pl.ds(base, ROWS_PER_W)])


def kernel(embedded_words, action_vectors):
    return _sc_onehot(_sims_transposed(embedded_words, action_vectors))

# --- scband reference (transcript-rebuilt; emitter-appended) ---
"""Pipeline reference for scband-fixed-action-decoder-18150531792935 (READ-ONLY COPY).

The authoritative reference and input builder live on the scoring server;
editing this copy changes nothing except your own understanding.
"""

import jax, jax.numpy as jnp
import numpy as np

ACTION_INDEX = np.array([0, 0, 0, 0, 1, 1, 1, 1, 1, 2, 3], dtype=np.int64)
ACTION_SIZE = 4
POINT_SIZE = 11
EMBED_DIM = 128
BATCH = 16384

def setup_inputs(seed: int = 0) -> dict:
    key = jax.random.key(seed)
    k1, k2 = jax.random.split(key)
    embedded_words = jax.random.normal(k1, (BATCH, EMBED_DIM), dtype=jnp.float32)
    # action_vectors is a fixed buffer built from short_embed(word); emulate with random unit-ish vectors
    action_vectors = jax.random.normal(k2, (1, EMBED_DIM, POINT_SIZE), dtype=jnp.float32)
    return {"embedded_words": embedded_words, "action_vectors": action_vectors}

def reference(embedded_words, action_vectors):
    batch_size = embedded_words.shape[0]
    action_index = jnp.asarray(ACTION_INDEX)
    # cosine similarity along the feature dim between embedded_words[B,d,1] (broadcast) and action_vectors[1,d,P]
    a = embedded_words[:, :, None]                      # [B, d, 1]
    av = action_vectors                                 # [1, d, P]
    num = jnp.sum(a * av, axis=1)                       # [B, P]
    n1 = jnp.linalg.norm(embedded_words, axis=1, keepdims=True)   # [B, 1]
    n2 = jnp.linalg.norm(action_vectors[0], axis=0)[None, :]      # [1, P]
    sims = num / jnp.maximum(n1 * n2, 1e-8)             # [B, P]
    sims_flat = sims.reshape(-1)                        # [B*P]
    batch_action_index = (action_index[None, :] + ACTION_SIZE * jnp.arange(batch_size, dtype=jnp.int64)[:, None]).reshape(-1)
    # global_max_pool == segment max over flat sims
    pooled = jax.ops.segment_max(sims_flat, batch_action_index, num_segments=batch_size * ACTION_SIZE)
    batchwise_action_sims = pooled.reshape(batch_size, ACTION_SIZE)
    action_idx = jnp.argmax(batchwise_action_sims, axis=1) + jnp.arange(batch_size, dtype=jnp.int64) * ACTION_SIZE
    ret = jnp.zeros(batch_size * ACTION_SIZE, dtype=jnp.float32).at[action_idx].set(1.0)
    return ret.reshape(batch_size, ACTION_SIZE)

if __name__ == "__main__":
    import jax
    _d = setup_inputs()
    print(jax.jit(kernel)(*tuple(_d.values())))

</pallas_src>

<mosaic_0001>
#map = affine_map<(d0, d1) -> (0, 0)>
module attributes {stable_mosaic.version = 14 : i64} {
  func.func @_sc_onehot(%arg0: i32, %arg1: i32, %arg2: memref<11x16384xf32, #tpu.memory_space<hbm>>, %arg3: memref<16384x4xf32, #tpu.memory_space<hbm>>, %arg4: memref<11x512xf32, #tpu.memory_space<vmem>>, %arg5: memref<512x4xf32, #tpu.memory_space<vmem>>, %arg6: memref<!tpu.dma_semaphore, #tpu.memory_space<semaphore_mem>>, %arg7: memref<!tpu.dma_semaphore, #tpu.memory_space<semaphore_mem>>) attributes {dimension_semantics = [#tpu.dimension_semantics<core_parallel>, #tpu.dimension_semantics<subcore_parallel>], iteration_bounds = array<i64: 2, 16>, scalar_prefetch = 0 : i64, scratch_operands = 4 : i64, tpu.core_type = #tpu.core_type<sc_vector_subcore>, window_params = [{transform_indices = #map}, {transform_indices = #map}]} {
    %mul3A = arith.constant 2 : i32
    %mul3A_0 = arith.muli %arg1, %mul3A : i32
    %add3A = arith.addi %mul3A_0, %arg0 : i32
    %mul3A_1 = arith.constant 512 : i32
    %mul3A_2 = arith.muli %add3A, %mul3A_1 : i32
    %dma_start3A = arith.constant 0 : i32
    %dma_start3A_3 = arith.constant 0 : i32
    %dma_start3A_4 = tpu.memref_slice %arg4[%dma_start3A, %dma_start3A_3] : memref<11x512xf32, #tpu.memory_space<vmem>> -> memref<11x256xf32, #tpu.memory_space<vmem>>
    %dma_start3A_5 = arith.constant 0 : i32
    %dma_start3A_6 = tpu.memref_slice %arg2[%dma_start3A_5, %mul3A_2] : memref<11x16384xf32, #tpu.memory_space<hbm>> -> memref<11x256xf32, #tpu.memory_space<hbm>>
    %dma_start3A_7 = arith.constant 0 : i32
    %dma_start3A_8 = arith.constant 0 : i32
    %dma_start3A_9 = tpu.memref_slice %arg4[%dma_start3A_7, %dma_start3A_8] : memref<11x512xf32, #tpu.memory_space<vmem>> -> memref<11x256xf32, #tpu.memory_space<vmem>>
    %dma_start3A_10 = arith.constant 0 : i32
    %dma_start3A_11 = tpu.memref_slice %arg2[%dma_start3A_10, %mul3A_2] : memref<11x16384xf32, #tpu.memory_space<hbm>> -> memref<11x256xf32, #tpu.memory_space<hbm>>
    tpu.enqueue_dma source(%dma_start3A_11 : memref<11x256xf32, #tpu.memory_space<hbm>>) target(%dma_start3A_9 : memref<11x256xf32, #tpu.memory_space<vmem>>) target_semaphore(%arg6 : memref<!tpu.dma_semaphore, #tpu.memory_space<semaphore_mem>>)
    %add3A_12 = arith.constant 256 : i32
    %add3A_13 = arith.addi %mul3A_2, %add3A_12 : i32
    %dma_start3A_14 = arith.constant 0 : i32
    %dma_start3A_15 = arith.constant 256 : i32
    %dma_start3A_16 = tpu.memref_slice %arg4[%dma_start3A_14, %dma_start3A_15] : memref<11x512xf32, #tpu.memory_space<vmem>> -> memref<11x256xf32, #tpu.memory_space<vmem>>
    %dma_start3A_17 = arith.constant 0 : i32
    %dma_start3A_18 = tpu.memref_slice %arg2[%dma_start3A_17, %add3A_13] : memref<11x16384xf32, #tpu.memory_space<hbm>> -> memref<11x256xf32, #tpu.memory_space<hbm>>
    %dma_start3A_19 = arith.constant 0 : i32
    %dma_start3A_20 = arith.constant 256 : i32
    %dma_start3A_21 = tpu.memref_slice %arg4[%dma_start3A_19, %dma_start3A_20] : memref<11x512xf32, #tpu.memory_space<vmem>> -> memref<11x256xf32, #tpu.memory_space<vmem>>
    %dma_start3A_22 = arith.constant 0 : i32
    %dma_start3A_23 = tpu.memref_slice %arg2[%dma_start3A_22, %add3A_13] : memref<11x16384xf32, #tpu.memory_space<hbm>> -> memref<11x256xf32, #tpu.memory_space<hbm>>
    tpu.enqueue_dma source(%dma_start3A_23 : memref<11x256xf32, #tpu.memory_space<hbm>>) target(%dma_start3A_21 : memref<11x256xf32, #tpu.memory_space<vmem>>) target_semaphore(%arg7 : memref<!tpu.dma_semaphore, #tpu.memory_space<semaphore_mem>>)
    %broadcast_in_dim3A = arith.constant 1.000000e+00 : f32
    %broadcast_in_dim3A_24 = vector.broadcast %broadcast_in_dim3A : f32 to vector<16xf32>
    %broadcast_in_dim3A_25 = arith.constant 0.000000e+00 : f32
    %broadcast_in_dim3A_26 = vector.broadcast %broadcast_in_dim3A_25 : f32 to vector<16xf32>
    %iota3A = tpu.iota {dimensions = array<i32: 0>} : vector<16xi32>
    %dma_wait3A = arith.constant 0 : i32
    %dma_wait3A_27 = arith.constant 0 : i32
    %dma_wait3A_28 = tpu.memref_slice %arg4[%dma_wait3A, %dma_wait3A_27] : memref<11x512xf32, #tpu.memory_space<vmem>> -> memref<11x256xf32, #tpu.memory_space<vmem>>
    %dma_wait3A_29 = arith.constant 0 : i32
    %dma_wait3A_30 = tpu.memref_slice %arg2[%dma_wait3A_29, %mul3A_2] : memref<11x16384xf32, #tpu.memory_space<hbm>> -> memref<11x256xf32, #tpu.memory_space<hbm>>
    %dma_wait3A_31 = arith.constant 0 : i32
    %dma_wait3A_32 = arith.constant 0 : i32
    %dma_wait3A_33 = tpu.memref_slice %arg4[%dma_wait3A_31, %dma_wait3A_32] : memref<11x512xf32, #tpu.memory_space<vmem>> -> memref<11x256xf32, #tpu.memory_space<vmem>>
    %dma_wait3A_34 = arith.constant 0 : i32
    %dma_wait3A_35 = tpu.memref_slice %arg2[%dma_wait3A_34, %mul3A_2] : memref<11x16384xf32, #tpu.memory_space<hbm>> -> memref<11x256xf32, #tpu.memory_space<hbm>>
    tpu.wait_dma2 semaphore(%arg6 : memref<!tpu.dma_semaphore, #tpu.memory_space<semaphore_mem>>) src(%dma_wait3A_35 : memref<11x256xf32, #tpu.memory_space<hbm>>) dst(%dma_wait3A_33 : memref<11x256xf32, #tpu.memory_space<vmem>>)
    %parallel_loop3A = arith.constant 0 : i32
    %parallel_loop3A_36 = arith.constant 16 : i32
    %parallel_loop3A_37 = arith.constant 1 : i32
    scf.for %parallel_loop3A_51 = %parallel_loop3A to %parallel_loop3A_36 step %parallel_loop3A_37  : i32 {
      %parallel_loop3A_52 = arith.constant 16 : i32
      %parallel_loop3A_53 = arith.muli %parallel_loop3A_51, %parallel_loop3A_52 : i32
      %parallel_loop3A_54 = arith.constant 0 : i32
      %parallel_loop3A_55 = arith.index_cast %parallel_loop3A_54 : i32 to index
      %parallel_loop3A_56 = arith.index_cast %parallel_loop3A_53 : i32 to index
      %parallel_loop3A_57 = tpu.vector_load %arg4[%parallel_loop3A_55, %parallel_loop3A_56] {strides = array<i32>} : memref<11x512xf32, #tpu.memory_space<vmem>>, vector<16xf32>,
      %parallel_loop3A_58 = arith.constant 16 : i32
      %parallel_loop3A_59 = arith.muli %parallel_loop3A_51, %parallel_loop3A_58 : i32
      %parallel_loop3A_60 = arith.constant 1 : i32
      %parallel_loop3A_61 = arith.index_cast %parallel_loop3A_60 : i32 to index
      %parallel_loop3A_62 = arith.index_cast %parallel_loop3A_59 : i32 to index
      %parallel_loop3A_63 = tpu.vector_load %arg4[%parallel_loop3A_61, %parallel_loop3A_62] {strides = array<i32>} : memref<11x512xf32, #tpu.memory_space<vmem>>, vector<16xf32>,
      %parallel_loop3A_64 = arith.constant 16 : i32
      %parallel_loop3A_65 = arith.muli %parallel_loop3A_51, %parallel_loop3A_64 : i32
      %parallel_loop3A_66 = arith.constant 2 : i32
      %parallel_loop3A_67 = arith.index_cast %parallel_loop3A_66 : i32 to index
      %parallel_loop3A_68 = arith.index_cast %parallel_loop3A_65 : i32 to index
      %parallel_loop3A_69 = tpu.vector_load %arg4[%parallel_loop3A_67, %parallel_loop3A_68] {strides = array<i32>} : memref<11x512xf32, #tpu.memory_space<vmem>>, vector<16xf32>,
      %parallel_loop3A_70 = arith.constant 16 : i32
      %parallel_loop3A_71 = arith.muli %parallel_loop3A_51, %parallel_loop3A_70 : i32
      %parallel_loop3A_72 = arith.constant 3 : i32
      %parallel_loop3A_73 = arith.index_cast %parallel_loop3A_72 : i32 to index
      %parallel_loop3A_74 = arith.index_cast %parallel_loop3A_71 : i32 to index
      %parallel_loop3A_75 = tpu.vector_load %arg4[%parallel_loop3A_73, %parallel_loop3A_74] {strides = array<i32>} : memref<11x512xf32, #tpu.memory_space<vmem>>, vector<16xf32>,
      %parallel_loop3A_76 = arith.constant 16 : i32
      %parallel_loop3A_77 = arith.muli %parallel_loop3A_51, %parallel_loop3A_76 : i32
      %parallel_loop3A_78 = arith.constant 4 : i32
      %parallel_loop3A_79 = arith.index_cast %parallel_loop3A_78 : i32 to index
      %parallel_loop3A_80 = arith.index_cast %parallel_loop3A_77 : i32 to index
      %parallel_loop3A_81 = tpu.vector_load %arg4[%parallel_loop3A_79, %parallel_loop3A_80] {strides = array<i32>} : memref<11x512xf32, #tpu.memory_space<vmem>>, vector<16xf32>,
      %parallel_loop3A_82 = arith.constant 16 : i32
      %parallel_loop3A_83 = arith.muli %parallel_loop3A_51, %parallel_loop3A_82 : i32
      %parallel_loop3A_84 = arith.constant 5 : i32
      %parallel_loop3A_85 = arith.index_cast %parallel_loop3A_84 : i32 to index
      %parallel_loop3A_86 = arith.index_cast %parallel_loop3A_83 : i32 to index
      %parallel_loop3A_87 = tpu.vector_load %arg4[%parallel_loop3A_85, %parallel_loop3A_86] {strides = array<i32>} : memref<11x512xf32, #tpu.memory_space<vmem>>, vector<16xf32>,
      %parallel_loop3A_88 = arith.constant 16 : i32
      %parallel_loop3A_89 = arith.muli %parallel_loop3A_51, %parallel_loop3A_88 : i32
      %parallel_loop3A_90 = arith.constant 6 : i32
      %parallel_loop3A_91 = arith.index_cast %parallel_loop3A_90 : i32 to index
      %parallel_loop3A_92 = arith.index_cast %parallel_loop3A_89 : i32 to index
      %parallel_loop3A_93 = tpu.vector_load %arg4[%parallel_loop3A_91, %parallel_loop3A_92] {strides = array<i32>} : memref<11x512xf32, #tpu.memory_space<vmem>>, vector<16xf32>,
      %parallel_loop3A_94 = arith.constant 16 : i32
      %parallel_loop3A_95 = arith.muli %parallel_loop3A_51, %parallel_loop3A_94 : i32
      %parallel_loop3A_96 = arith.constant 7 : i32
      %parallel_loop3A_97 = arith.index_cast %parallel_loop3A_96 : i32 to index
      %parallel_loop3A_98 = arith.index_cast %parallel_loop3A_95 : i32 to index
      %parallel_loop3A_99 = tpu.vector_load %arg4[%parallel_loop3A_97, %parallel_loop3A_98] {strides = array<i32>} : memref<11x512xf32, #tpu.memory_space<vmem>>, vector<16xf32>,
      %parallel_loop3A_100 = arith.constant 16 : i32
      %parallel_loop3A_101 = arith.muli %parallel_loop3A_51, %parallel_loop3A_100 : i32
      %parallel_loop3A_102 = arith.constant 8 : i32
      %parallel_loop3A_103 = arith.index_cast %parallel_loop3A_102 : i32 to index
      %parallel_loop3A_104 = arith.index_cast %parallel_loop3A_101 : i32 to index
      %parallel_loop3A_105 = tpu.vector_load %arg4[%parallel_loop3A_103, %parallel_loop3A_104] {strides = array<i32>} : memref<11x512xf32, #tpu.memory_space<vmem>>, vector<16xf32>,
      %parallel_loop3A_106 = arith.constant 16 : i32
      %parallel_loop3A_107 = arith.muli %parallel_loop3A_51, %parallel_loop3A_106 : i32
      %parallel_loop3A_108 = arith.constant 9 : i32
      %parallel_loop3A_109 = arith.index_cast %parallel_loop3A_108 : i32 to index
      %parallel_loop3A_110 = arith.index_cast %parallel_loop3A_107 : i32 to index
      %parallel_loop3A_111 = tpu.vector_load %arg4[%parallel_loop3A_109, %parallel_loop3A_110] {strides = array<i32>} : memref<11x512xf32, #tpu.memory_space<vmem>>, vector<16xf32>,
      %parallel_loop3A_112 = arith.constant 16 : i32
      %parallel_loop3A_113 = arith.muli %parallel_loop3A_51, %parallel_loop3A_112 : i32
      %parallel_loop3A_114 = arith.constant 10 : i32
      %parallel_loop3A_115 = arith.index_cast %parallel_loop3A_114 : i32 to index
      %parallel_loop3A_116 = arith.index_cast %parallel_loop3A_113 : i32 to index
      %parallel_loop3A_117 = tpu.vector_load %arg4[%parallel_loop3A_115, %parallel_loop3A_116] {strides = array<i32>} : memref<11x512xf32, #tpu.memory_space<vmem>>, vector<16xf32>,
      %parallel_loop3A_118 = arith.maximumf %parallel_loop3A_57, %parallel_loop3A_63 : vector<16xf32>
      %parallel_loop3A_119 = arith.maximumf %parallel_loop3A_69, %parallel_loop3A_75 : vector<16xf32>
      %parallel_loop3A_120 = arith.maximumf %parallel_loop3A_118, %parallel_loop3A_119 : vector<16xf32>
      %parallel_loop3A_121 = arith.maximumf %parallel_loop3A_81, %parallel_loop3A_87 : vector<16xf32>
      %parallel_loop3A_122 = arith.maximumf %parallel_loop3A_93, %parallel_loop3A_99 : vector<16xf32>
      %parallel_loop3A_123 = arith.maximumf %parallel_loop3A_121, %parallel_loop3A_122 : vector<16xf32>
      %parallel_loop3A_124 = arith.maximumf %parallel_loop3A_123, %parallel_loop3A_105 : vector<16xf32>
      %parallel_loop3A_125 = arith.maximumf %parallel_loop3A_120, %parallel_loop3A_124 : vector<16xf32>
      %parallel_loop3A_126 = arith.maximumf %parallel_loop3A_111, %parallel_loop3A_117 : vector<16xf32>
      %parallel_loop3A_127 = arith.maximumf %parallel_loop3A_125, %parallel_loop3A_126 : vector<16xf32>
      %parallel_loop3A_128 = arith.cmpf oge, %parallel_loop3A_120, %parallel_loop3A_127 : vector<16xf32>
      %parallel_loop3A_129 = arith.cmpf oge, %parallel_loop3A_124, %parallel_loop3A_127 : vector<16xf32>
      %parallel_loop3A_130 = arith.constant dense<true> : vector<16xi1>
      %parallel_loop3A_131 = arith.xori %parallel_loop3A_128, %parallel_loop3A_130 : vector<16xi1>
      %parallel_loop3A_132 = arith.andi %parallel_loop3A_129, %parallel_loop3A_131 : vector<16xi1>
      %parallel_loop3A_133 = arith.cmpf oge, %parallel_loop3A_111, %parallel_loop3A_127 : vector<16xf32>
      %parallel_loop3A_134 = arith.ori %parallel_loop3A_128, %parallel_loop3A_132 : vector<16xi1>
      %parallel_loop3A_135 = arith.constant dense<true> : vector<16xi1>
      %parallel_loop3A_136 = arith.xori %parallel_loop3A_134, %parallel_loop3A_135 : vector<16xi1>
      %parallel_loop3A_137 = arith.andi %parallel_loop3A_133, %parallel_loop3A_136 : vector<16xi1>
      %parallel_loop3A_138 = arith.ori %parallel_loop3A_128, %parallel_loop3A_132 : vector<16xi1>
      %parallel_loop3A_139 = arith.ori %parallel_loop3A_138, %parallel_loop3A_137 : vector<16xi1>
      %parallel_loop3A_140 = arith.constant dense<true> : vector<16xi1>
      %parallel_loop3A_141 = arith.xori %parallel_loop3A_139, %parallel_loop3A_140 : vector<16xi1>
      %parallel_loop3A_142 = arith.constant 16 : i32
      %parallel_loop3A_143 = arith.muli %parallel_loop3A_51, %parallel_loop3A_142 : i32
      %parallel_loop3A_144 = vector.broadcast %parallel_loop3A_143 : i32 to vector<16xi32>
      %parallel_loop3A_145 = arith.addi %iota3A, %parallel_loop3A_144 : vector<16xi32>
      %parallel_loop3A_146 = arith.constant 0 : i32
      %parallel_loop3A_147 = vector.broadcast %parallel_loop3A_146 : i32 to vector<16xi32>
      %parallel_loop3A_148 = arith.select %parallel_loop3A_128, %broadcast_in_dim3A_24, %broadcast_in_dim3A_26 : vector<16xi1>, vector<16xf32>
      tpu.vector_store_idx %arg5[%parallel_loop3A_145, %parallel_loop3A_147], %parallel_loop3A_148 : memref<512x4xf32, #tpu.memory_space<vmem>>[vector<16xi32>, vector<16xi32>], vector<16xf32>,
      %parallel_loop3A_149 = arith.constant 1 : i32
      %parallel_loop3A_150 = vector.broadcast %parallel_loop3A_149 : i32 to vector<16xi32>
      %parallel_loop3A_151 = arith.select %parallel_loop3A_132, %broadcast_in_dim3A_24, %broadcast_in_dim3A_26 : vector<16xi1>, vector<16xf32>
      tpu.vector_store_idx %arg5[%parallel_loop3A_145, %parallel_loop3A_150], %parallel_loop3A_151 : memref<512x4xf32, #tpu.memory_space<vmem>>[vector<16xi32>, vector<16xi32>], vector<16xf32>,
      %parallel_loop3A_152 = arith.constant 2 : i32
      %parallel_loop3A_153 = vector.broadcast %parallel_loop3A_152 : i32 to vector<16xi32>
      %parallel_loop3A_154 = arith.select %parallel_loop3A_137, %broadcast_in_dim3A_24, %broadcast_in_dim3A_26 : vector<16xi1>, vector<16xf32>
      tpu.vector_store_idx %arg5[%parallel_loop3A_145, %parallel_loop3A_153], %parallel_loop3A_154 : memref<512x4xf32, #tpu.memory_space<vmem>>[vector<16xi32>, vector<16xi32>], vector<16xf32>,
      %parallel_loop3A_155 = arith.constant 3 : i32
      %parallel_loop3A_156 = vector.broadcast %parallel_loop3A_155 : i32 to vector<16xi32>
      %parallel_loop3A_157 = arith.select %parallel_loop3A_141, %broadcast_in_dim3A_24, %broadcast_in_dim3A_26 : vector<16xi1>, vector<16xf32>
      tpu.vector_store_idx %arg5[%parallel_loop3A_145, %parallel_loop3A_156], %parallel_loop3A_157 : memref<512x4xf32, #tpu.memory_space<vmem>>[vector<16xi32>, vector<16xi32>], vector<16xf32>,
    } {sc.loop_unroll_factor = 4 : i64, sc.parallel_access}
    %dma_wait3A_38 = arith.constant 0 : i32
    %dma_wait3A_39 = arith.constant 256 : i32
    %dma_wait3A_40 = tpu.memref_slice %arg4[%dma_wait3A_38, %dma_wait3A_39] : memref<11x512xf32, #tpu.memory_space<vmem>> -> memref<11x256xf32, #tpu.memory_space<vmem>>
    %dma_wait3A_41 = arith.constant 0 : i32
    %dma_wait3A_42 = tpu.memref_slice %arg2[%dma_wait3A_41, %add3A_13] : memref<11x16384xf32, #tpu.memory_space<hbm>> -> memref<11x256xf32, #tpu.memory_space<hbm>>
    %dma_wait3A_43 = arith.constant 0 : i32
    %dma_wait3A_44 = arith.constant 256 : i32
    %dma_wait3A_45 = tpu.memref_slice %arg4[%dma_wait3A_43, %dma_wait3A_44] : memref<11x512xf32, #tpu.memory_space<vmem>> -> memref<11x256xf32, #tpu.memory_space<vmem>>
    %dma_wait3A_46 = arith.constant 0 : i32
    %dma_wait3A_47 = tpu.memref_slice %arg2[%dma_wait3A_46, %add3A_13] : memref<11x16384xf32, #tpu.memory_space<hbm>> -> memref<11x256xf32, #tpu.memory_space<hbm>>
    tpu.wait_dma2 semaphore(%arg7 : memref<!tpu.dma_semaphore, #tpu.memory_space<semaphore_mem>>) src(%dma_wait3A_47 : memref<11x256xf32, #tpu.memory_space<hbm>>) dst(%dma_wait3A_45 : memref<11x256xf32, #tpu.memory_space<vmem>>)
    %parallel_loop3A_48 = arith.constant 16 : i32
    %parallel_loop3A_49 = arith.constant 32 : i32
    %parallel_loop3A_50 = arith.constant 1 : i32
    scf.for %parallel_loop3A_51 = %parallel_loop3A_48 to %parallel_loop3A_49 step %parallel_loop3A_50  : i32 {
      %parallel_loop3A_52 = arith.constant 16 : i32
      %parallel_loop3A_53 = arith.muli %parallel_loop3A_51, %parallel_loop3A_52 : i32
      %parallel_loop3A_54 = arith.constant 0 : i32
      %parallel_loop3A_55 = arith.index_cast %parallel_loop3A_54 : i32 to index
      %parallel_loop3A_56 = arith.index_cast %parallel_loop3A_53 : i32 to index
      %parallel_loop3A_57 = tpu.vector_load %arg4[%parallel_loop3A_55, %parallel_loop3A_56] {strides = array<i32>} : memref<11x512xf32, #tpu.memory_space<vmem>>, vector<16xf32>,
      %parallel_loop3A_58 = arith.constant 16 : i32
      %parallel_loop3A_59 = arith.muli %parallel_loop3A_51, %parallel_loop3A_58 : i32
      %parallel_loop3A_60 = arith.constant 1 : i32
      %parallel_loop3A_61 = arith.index_cast %parallel_loop3A_60 : i32 to index
      %parallel_loop3A_62 = arith.index_cast %parallel_loop3A_59 : i32 to index
      %parallel_loop3A_63 = tpu.vector_load %arg4[%parallel_loop3A_61, %parallel_loop3A_62] {strides = array<i32>} : memref<11x512xf32, #tpu.memory_space<vmem>>, vector<16xf32>,
      %parallel_loop3A_64 = arith.constant 16 : i32
      %parallel_loop3A_65 = arith.muli %parallel_loop3A_51, %parallel_loop3A_64 : i32
      %parallel_loop3A_66 = arith.constant 2 : i32
      %parallel_loop3A_67 = arith.index_cast %parallel_loop3A_66 : i32 to index
      %parallel_loop3A_68 = arith.index_cast %parallel_loop3A_65 : i32 to index
      %parallel_loop3A_69 = tpu.vector_load %arg4[%parallel_loop3A_67, %parallel_loop3A_68] {strides = array<i32>} : memref<11x512xf32, #tpu.memory_space<vmem>>, vector<16xf32>,
      %parallel_loop3A_70 = arith.constant 16 : i32
      %parallel_loop3A_71 = arith.muli %parallel_loop3A_51, %parallel_loop3A_70 : i32
      %parallel_loop3A_72 = arith.constant 3 : i32
      %parallel_loop3A_73 = arith.index_cast %parallel_loop3A_72 : i32 to index
      %parallel_loop3A_74 = arith.index_cast %parallel_loop3A_71 : i32 to index
      %parallel_loop3A_75 = tpu.vector_load %arg4[%parallel_loop3A_73, %parallel_loop3A_74] {strides = array<i32>} : memref<11x512xf32, #tpu.memory_space<vmem>>, vector<16xf32>,
      %parallel_loop3A_76 = arith.constant 16 : i32
      %parallel_loop3A_77 = arith.muli %parallel_loop3A_51, %parallel_loop3A_76 : i32
      %parallel_loop3A_78 = arith.constant 4 : i32
      %parallel_loop3A_79 = arith.index_cast %parallel_loop3A_78 : i32 to index
      %parallel_loop3A_80 = arith.index_cast %parallel_loop3A_77 : i32 to index
      %parallel_loop3A_81 = tpu.vector_load %arg4[%parallel_loop3A_79, %parallel_loop3A_80] {strides = array<i32>} : memref<11x512xf32, #tpu.memory_space<vmem>>, vector<16xf32>,
      %parallel_loop3A_82 = arith.constant 16 : i32
      %parallel_loop3A_83 = arith.muli %parallel_loop3A_51, %parallel_loop3A_82 : i32
      %parallel_loop3A_84 = arith.constant 5 : i32
      %parallel_loop3A_85 = arith.index_cast %parallel_loop3A_84 : i32 to index
      %parallel_loop3A_86 = arith.index_cast %parallel_loop3A_83 : i32 to index
      %parallel_loop3A_87 = tpu.vector_load %arg4[%parallel_loop3A_85, %parallel_loop3A_86] {strides = array<i32>} : memref<11x512xf32, #tpu.memory_space<vmem>>, vector<16xf32>,
      %parallel_loop3A_88 = arith.constant 16 : i32
      %parallel_loop3A_89 = arith.muli %parallel_loop3A_51, %parallel_loop3A_88 : i32
      %parallel_loop3A_90 = arith.constant 6 : i32
      %parallel_loop3A_91 = arith.index_cast %parallel_loop3A_90 : i32 to index
      %parallel_loop3A_92 = arith.index_cast %parallel_loop3A_89 : i32 to index
      %parallel_loop3A_93 = tpu.vector_load %arg4[%parallel_loop3A_91, %parallel_loop3A_92] {strides = array<i32>} : memref<11x512xf32, #tpu.memory_space<vmem>>, vector<16xf32>,
      %parallel_loop3A_94 = arith.constant 16 : i32
      %parallel_loop3A_95 = arith.muli %parallel_loop3A_51, %parallel_loop3A_94 : i32
      %parallel_loop3A_96 = arith.constant 7 : i32
      %parallel_loop3A_97 = arith.index_cast %parallel_loop3A_96 : i32 to index
      %parallel_loop3A_98 = arith.index_cast %parallel_loop3A_95 : i32 to index
      %parallel_loop3A_99 = tpu.vector_load %arg4[%parallel_loop3A_97, %parallel_loop3A_98] {strides = array<i32>} : memref<11x512xf32, #tpu.memory_space<vmem>>, vector<16xf32>,
      %parallel_loop3A_100 = arith.constant 16 : i32
      %parallel_loop3A_101 = arith.muli %parallel_loop3A_51, %parallel_loop3A_100 : i32
      %parallel_loop3A_102 = arith.constant 8 : i32
      %parallel_loop3A_103 = arith.index_cast %parallel_loop3A_102 : i32 to index
      %parallel_loop3A_104 = arith.index_cast %parallel_loop3A_101 : i32 to index
      %parallel_loop3A_105 = tpu.vector_load %arg4[%parallel_loop3A_103, %parallel_loop3A_104] {strides = array<i32>} : memref<11x512xf32, #tpu.memory_space<vmem>>, vector<16xf32>,
      %parallel_loop3A_106 = arith.constant 16 : i32
      %parallel_loop3A_107 = arith.muli %parallel_loop3A_51, %parallel_loop3A_106 : i32
      %parallel_loop3A_108 = arith.constant 9 : i32
      %parallel_loop3A_109 = arith.index_cast %parallel_loop3A_108 : i32 to index
      %parallel_loop3A_110 = arith.index_cast %parallel_loop3A_107 : i32 to index
      %parallel_loop3A_111 = tpu.vector_load %arg4[%parallel_loop3A_109, %parallel_loop3A_110] {strides = array<i32>} : memref<11x512xf32, #tpu.memory_space<vmem>>, vector<16xf32>,
      %parallel_loop3A_112 = arith.constant 16 : i32
      %parallel_loop3A_113 = arith.muli %parallel_loop3A_51, %parallel_loop3A_112 : i32
      %parallel_loop3A_114 = arith.constant 10 : i32
      %parallel_loop3A_115 = arith.index_cast %parallel_loop3A_114 : i32 to index
      %parallel_loop3A_116 = arith.index_cast %parallel_loop3A_113 : i32 to index
      %parallel_loop3A_117 = tpu.vector_load %arg4[%parallel_loop3A_115, %parallel_loop3A_116] {strides = array<i32>} : memref<11x512xf32, #tpu.memory_space<vmem>>, vector<16xf32>,
      %parallel_loop3A_118 = arith.maximumf %parallel_loop3A_57, %parallel_loop3A_63 : vector<16xf32>
      %parallel_loop3A_119 = arith.maximumf %parallel_loop3A_69, %parallel_loop3A_75 : vector<16xf32>
      %parallel_loop3A_120 = arith.maximumf %parallel_loop3A_118, %parallel_loop3A_119 : vector<16xf32>
      %parallel_loop3A_121 = arith.maximumf %parallel_loop3A_81, %parallel_loop3A_87 : vector<16xf32>
      %parallel_loop3A_122 = arith.maximumf %parallel_loop3A_93, %parallel_loop3A_99 : vector<16xf32>
      %parallel_loop3A_123 = arith.maximumf %parallel_loop3A_121, %parallel_loop3A_122 : vector<16xf32>
      %parallel_loop3A_124 = arith.maximumf %parallel_loop3A_123, %parallel_loop3A_105 : vector<16xf32>
      %parallel_loop3A_125 = arith.maximumf %parallel_loop3A_120, %parallel_loop3A_124 : vector<16xf32>
      %parallel_loop3A_126 = arith.maximumf %parallel_loop3A_111, %parallel_loop3A_117 : vector<16xf32>
      %parallel_loop3A_127 = arith.maximumf %parallel_loop3A_125, %parallel_loop3A_126 : vector<16xf32>
      %parallel_loop3A_128 = arith.cmpf oge, %parallel_loop3A_120, %parallel_loop3A_127 : vector<16xf32>
      %parallel_loop3A_129 = arith.cmpf oge, %parallel_loop3A_124, %parallel_loop3A_127 : vector<16xf32>
      %parallel_loop3A_130 = arith.constant dense<true> : vector<16xi1>
      %parallel_loop3A_131 = arith.xori %parallel_loop3A_128, %parallel_loop3A_130 : vector<16xi1>
      %parallel_loop3A_132 = arith.andi %parallel_loop3A_129, %parallel_loop3A_131 : vector<16xi1>
      %parallel_loop3A_133 = arith.cmpf oge, %parallel_loop3A_111, %parallel_loop3A_127 : vector<16xf32>
      %parallel_loop3A_134 = arith.ori %parallel_loop3A_128, %parallel_loop3A_132 : vector<16xi1>
      %parallel_loop3A_135 = arith.constant dense<true> : vector<16xi1>
      %parallel_loop3A_136 = arith.xori %parallel_loop3A_134, %parallel_loop3A_135 : vector<16xi1>
      %parallel_loop3A_137 = arith.andi %parallel_loop3A_133, %parallel_loop3A_136 : vector<16xi1>
      %parallel_loop3A_138 = arith.ori %parallel_loop3A_128, %parallel_loop3A_132 : vector<16xi1>
      %parallel_loop3A_139 = arith.ori %parallel_loop3A_138, %parallel_loop3A_137 : vector<16xi1>
      %parallel_loop3A_140 = arith.constant dense<true> : vector<16xi1>
      %parallel_loop3A_141 = arith.xori %parallel_loop3A_139, %parallel_loop3A_140 : vector<16xi1>
      %parallel_loop3A_142 = arith.constant 16 : i32
      %parallel_loop3A_143 = arith.muli %parallel_loop3A_51, %parallel_loop3A_142 : i32
      %parallel_loop3A_144 = vector.broadcast %parallel_loop3A_143 : i32 to vector<16xi32>
      %parallel_loop3A_145 = arith.addi %iota3A, %parallel_loop3A_144 : vector<16xi32>
      %parallel_loop3A_146 = arith.constant 0 : i32
      %parallel_loop3A_147 = vector.broadcast %parallel_loop3A_146 : i32 to vector<16xi32>
      %parallel_loop3A_148 = arith.select %parallel_loop3A_128, %broadcast_in_dim3A_24, %broadcast_in_dim3A_26 : vector<16xi1>, vector<16xf32>
      tpu.vector_store_idx %arg5[%parallel_loop3A_145, %parallel_loop3A_147], %parallel_loop3A_148 : memref<512x4xf32, #tpu.memory_space<vmem>>[vector<16xi32>, vector<16xi32>], vector<16xf32>,
      %parallel_loop3A_149 = arith.constant 1 : i32
      %parallel_loop3A_150 = vector.broadcast %parallel_loop3A_149 : i32 to vector<16xi32>
      %parallel_loop3A_151 = arith.select %parallel_loop3A_132, %broadcast_in_dim3A_24, %broadcast_in_dim3A_26 : vector<16xi1>, vector<16xf32>
      tpu.vector_store_idx %arg5[%parallel_loop3A_145, %parallel_loop3A_150], %parallel_loop3A_151 : memref<512x4xf32, #tpu.memory_space<vmem>>[vector<16xi32>, vector<16xi32>], vector<16xf32>,
      %parallel_loop3A_152 = arith.constant 2 : i32
      %parallel_loop3A_153 = vector.broadcast %parallel_loop3A_152 : i32 to vector<16xi32>
      %parallel_loop3A_154 = arith.select %parallel_loop3A_137, %broadcast_in_dim3A_24, %broadcast_in_dim3A_26 : vector<16xi1>, vector<16xf32>
      tpu.vector_store_idx %arg5[%parallel_loop3A_145, %parallel_loop3A_153], %parallel_loop3A_154 : memref<512x4xf32, #tpu.memory_space<vmem>>[vector<16xi32>, vector<16xi32>], vector<16xf32>,
      %parallel_loop3A_155 = arith.constant 3 : i32
      %parallel_loop3A_156 = vector.broadcast %parallel_loop3A_155 : i32 to vector<16xi32>
      %parallel_loop3A_157 = arith.select %parallel_loop3A_141, %broadcast_in_dim3A_24, %broadcast_in_dim3A_26 : vector<16xi1>, vector<16xf32>
      tpu.vector_store_idx %arg5[%parallel_loop3A_145, %parallel_loop3A_156], %parallel_loop3A_157 : memref<512x4xf32, #tpu.memory_space<vmem>>[vector<16xi32>, vector<16xi32>], vector<16xf32>,
    } {sc.loop_unroll_factor = 4 : i64, sc.parallel_access}
    "tpu.region"() ({
      %run_scoped3A = tpu.sem_alloc : memref<!tpu.dma_semaphore, #tpu.memory_space<semaphore_mem>>
      %dma_start3A_51 = arith.constant 0 : i32
      %dma_start3A_52 = tpu.memref_slice %arg3[%mul3A_2, %dma_start3A_51] : memref<16384x4xf32, #tpu.memory_space<hbm>> -> memref<512x4xf32, #tpu.memory_space<hbm>>
      %dma_start3A_53 = arith.constant 0 : i32
      %dma_start3A_54 = tpu.memref_slice %arg3[%mul3A_2, %dma_start3A_53] : memref<16384x4xf32, #tpu.memory_space<hbm>> -> memref<512x4xf32, #tpu.memory_space<hbm>>
      tpu.enqueue_dma source(%arg5 : memref<512x4xf32, #tpu.memory_space<vmem>>) target(%dma_start3A_54 : memref<512x4xf32, #tpu.memory_space<hbm>>) target_semaphore(%run_scoped3A : memref<!tpu.dma_semaphore, #tpu.memory_space<semaphore_mem>>)
      %dma_wait3A_55 = arith.constant 0 : i32
      %dma_wait3A_56 = tpu.memref_slice %arg3[%mul3A_2, %dma_wait3A_55] : memref<16384x4xf32, #tpu.memory_space<hbm>> -> memref<512x4xf32, #tpu.memory_space<hbm>>
      %dma_wait3A_57 = arith.constant 0 : i32
      %dma_wait3A_58 = tpu.memref_slice %arg3[%mul3A_2, %dma_wait3A_57] : memref<16384x4xf32, #tpu.memory_space<hbm>> -> memref<512x4xf32, #tpu.memory_space<hbm>>
      tpu.wait_dma2 semaphore(%run_scoped3A : memref<!tpu.dma_semaphore, #tpu.memory_space<semaphore_mem>>) src(%arg5 : memref<512x4xf32, #tpu.memory_space<vmem>>) dst(%dma_wait3A_58 : memref<512x4xf32, #tpu.memory_space<hbm>>)
      tpu.yield
    }) : () -> ()
    return
  }
}

module attributes {stable_mosaic.version = 14 : i64} {
  func.func @_tc_sims_body(%arg0: i32, %arg1: memref<4096x128xf32, #tpu.memory_space<vmem>>, %arg2: memref<1x128x11xf32, #tpu.memory_space<vmem>>, %arg3: memref<11x4096xf32, #tpu.memory_space<vmem>>) attributes {dimension_semantics = [#tpu.dimension_semantics<arbitrary>], iteration_bounds = array<i64: 4>, scalar_prefetch = 0 : i64, scratch_operands = 0 : i64, tpu.core_type = #tpu.core_type<tc>, window_params = [{transform_indices = @transform_0, window_bounds = array<i64: 4096, 128>}, {pipeline_mode = #tpu.pipeline_mode<synchronous>, transform_indices = @transform_1, window_bounds = array<i64: 1, 128, 11>}, {transform_indices = @transform_2, window_bounds = array<i64: 11, 4096>}]} {
    %get3A = arith.constant 0 : index
    %get3A_0 = arith.constant 0 : index
    %get3A_1 = vector.load %arg1[%get3A, %get3A_0] : memref<4096x128xf32, #tpu.memory_space<vmem>>, vector<4096x128xf32>
    %get3A_2 = arith.constant 0 : index
    %get3A_3 = arith.constant 0 : index
    %get3A_4 = arith.constant 0 : index
    %get3A_5 = vector.load %arg2[%get3A_2, %get3A_3, %get3A_4] : memref<1x128x11xf32, #tpu.memory_space<vmem>>, vector<1x128x11xf32>
    %get3A_6 = vector.shape_cast %get3A_5 : vector<1x128x11xf32> to vector<128x11xf32>
    %dot_general3A = arith.constant dense<0.000000e+00> : vector<11x4096xf32>
    %dot_general3A_7 = tpu.matmul %get3A_6, %get3A_1, %dot_general3A {dimension_numbers = #tpu.dot_dimension_numbers<[0], [1], [1], [0], [0, 1, 1, 0], [], []>, precision = #tpu.contract_precision<fp32>, transpose_lhs_hint = false} : vector<128x11xf32>, vector<4096x128xf32>, vector<11x4096xf32> -> vector<11x4096xf32>
    %mul3A = arith.mulf %get3A_6, %get3A_6 : vector<128x11xf32>
    %reduce_sum3A = arith.constant dense<0.000000e+00> : vector<11xf32>
    %reduce_sum3A_8 = vector.multi_reduction <add>, %mul3A, %reduce_sum3A [0] : vector<128x11xf32> to vector<11xf32>
    %broadcast_in_dim3A = vector.shape_cast %reduce_sum3A_8 : vector<11xf32> to vector<1x11xf32>
    %transpose3A = tpu.transpose %broadcast_in_dim3A, [1, 0] : vector<1x11xf32> -> vector<11x1xf32>
    %rsqrt3A = math.rsqrt %transpose3A : vector<11x1xf32>
    %mul3A_9 = vector.broadcast %rsqrt3A : vector<11x1xf32> to vector<11x4096xf32>
    %mul3A_10 = arith.mulf %dot_general3A_7, %mul3A_9 : vector<11x4096xf32>
    %swap3A = arith.constant 0 : index
    %swap3A_11 = arith.constant 0 : index
    %swap3A_12 = vector.load %arg3[%swap3A, %swap3A_11] : memref<11x4096xf32, #tpu.memory_space<vmem>>, vector<11x4096xf32>
    tpu.vector_store %arg3[%swap3A, %swap3A_11], %mul3A_10 {strides = array<i32>} : memref<11x4096xf32, #tpu.memory_space<vmem>>, vector<11x4096xf32>,
    return
  }
  func.func @transform_0(%arg0: i32) -> (i32, i32) {
    %c0_i32 = arith.constant 0 : i32
    %c0_i32_0 = arith.constant 0 : i32
    return %arg0, %c0_i32 : i32, i32
  }
  func.func @transform_1(%arg0: i32) -> (i32, i32, i32) {
    %c0_i32 = arith.constant 0 : i32
    %c0_i32_0 = arith.constant 0 : i32
    %c0_i32_1 = arith.constant 0 : i32
    %c0_i32_2 = arith.constant 0 : i32
    return %c0_i32, %c0_i32_0, %c0_i32_1 : i32, i32, i32
  }
  func.func @transform_2(%arg0: i32) -> (i32, i32) {
    %c0_i32 = arith.constant 0 : i32
    %c0_i32_0 = arith.constant 0 : i32
    return %c0_i32, %arg0 : i32, i32
  }
}

</mosaic_0001>

<sc_bundles>
// kernel: kernel.4.cloned.1.call-start
scs
__scs_entry_jumppad:
0x0: {  	(pc) =	sbr.rel $0x88, $3  }
0x1: {  	(tag) =	ssettag $0x0;
	lr =	simm.s32 $0x1  }
0x2: {  	[smem:$0x3F9F] =	sst lr;
	_ =	strace $0xD0000000  }
0x3: {  	_ = 	snop  }
0x4: {  	_ = 	snop  }
0x5: {  	_ = 	snop  }
0x6: {  	_ = 	snop  }
0x7: {  	_ = 	snop  }
__scs_overlays_trampoline_lowered:
0x8: {  	[smem:$0x3FAE] =	sst s0  }
0x9: {  	[smem:$0x3FAF] =	sst s1  }
0xa: {  	[smem:$0x3FB0] =	sst s2  }
0xb: {  	[smem:$0x3FB1] =	sst s3  }
0xc: {  	[smem:$0x3FB2] =	sst s4  }
0xd: {  	[smem:$0x3FB3] =	sst s5  }
0xe: {  	[smem:$0x3FB4] =	sst s6  }
0xf: {  	[smem:$0x3FB5] =	sst s7  }
0x10: {  	[smem:$0x3FB6] =	sst s8  }
0x11: {  	[smem:$0x3FB7] =	sst s9;
	s0 =	simm.s32 @!p0 $0x0  }
0x12: {  	s1 =	sld [smem:$0x3F9D];
	s0 =	simm.s32 @p0 $0x1  }
0x13: {  	[smem:$0x3FB8] =	sst s0;
	s0 =	simm.s32 @!p1 $0x0  }
0x14: {  	s2 =	sld [smem:$0x3F9C];
	s0 =	simm.s32 @p1 $0x1  }
0x15: {  	[smem:$0x3FB9] =	sst s0;
	s0 =	simm.s32 @!p2 $0x0  }
0x16: {  	s3 =	sld [smem:$0x3FDB];
	s0 =	simm.s32 @p2 $0x1  }
0x17: {  	s4 =	simm.s32 $0x1BF5;
	[smem:$0x3FBB] =	sst s0  }
0x18: {  	s0 =	sld [smem:$0x3F9E];
	_ =	swait.ge [sflag:s4], $0x0  }
0x19: {  	s7 =	sld [smem:$0x3F9F]  }
0x1a: {  	s8 =	sadd.s32 $0xFFFFE003, lr  }
0x1b: {  	s9 =	sadd.s32 $0xFFFFFEF7, lr;
	s5 =	simm.s32 $0xFFFFFFFF;
	p2 =	slt.u32 s8, $0xFFFFF086  }
0x1c: {  	p1 =	slt.u32 s9, $0xF7A;
	s5 =	simm.s32 @!p2 $0x0  }
0x1d: {  	s5 =	simm.s32 @p1 $0x1;
	p0 =	seq.s32 s7, s2  }
0x1e: {  	s7 =	smul.u32 @!p0 $0xF7A, s2;
	p2 =	seq.s32 @!p0 s5, $0x0  }
0x1f: {  	s9 =	smul.u32 $0xF7A, s1;
	s8 =	simm.s32 @!p0 $0x1BF5;
	p2 =	por !p2, p0  }
0x20: {  	[sflag:s8] =	ssyncset.s32 @!p0 $0xFFFFF086;
	s6 =	sadd.s32 @!p0 s3, s7;
	s7 =	simm.s32 @!p0 $0x108  }
0x21: {  	s3 =	sadd.s32 s3, s9;
	s6 =	sadd.s32 @!p0 $0x88, s6;
	s7 =	simm.s32 @p2 $0x1082  }
0x22: {  	[simem:s7], [sflag:s8] =	dma.local @!p0 [hbm:s6], $0xF7A  }
0x23: {  	s9 =	sor.u32 $0xD0000000, s2;
	s6 =	simm.s32 $0x108;
	_ =	swait.ge @!p0 [sflag:s8], $0x0  }
0x24: {  	s3 =	sadd.s32 $0x88, s3;
	s6 =	simm.s32 @!p1 $0x1082;
	[sflag:s4] =	ssyncset.s32 $0xFFFFF086  }
0x25: {  	[simem:s6], [sflag:s4] =	dma.local [hbm:s3], $0xF7A  }
0x26: {  	[smem:$0x3F9F] =	sst s1;
	(tag) =	ssettag s2;
	_ =	strace s9  }
0x27: {  	s1 =	sld [smem:$0x3FAF]  }
0x28: {  	s2 =	sld [smem:$0x3FB0]  }
0x29: {  	s4 =	sld [smem:$0x3FB2]  }
0x2a: {  	p0 =	seq.s32 s5, $0x0;
	s5 =	sld [smem:$0x3FB3]  }
0x2b: {  	s6 =	sld [smem:$0x3FB4]  }
0x2c: {  	s7 =	sld [smem:$0x3FB5]  }
0x2d: {  	s3 =	simm.s32 $0x108;
	s8 =	sld [smem:$0x3FB6]  }
0x2e: {  	s3 =	simm.s32 @!p0 $0x1082;
	s9 =	sld [smem:$0x3FB7]  }
0x2f: {  	lr =	sadd.s32 s0, s3;
	s0 =	sld [smem:$0x3FAE]  }
0x30: {  	s3 =	sld [smem:$0x3FB1]  }
0x31: {  	[smem:$0x3FBA] =	sst s10  }
0x32: {  	s10 =	sld [smem:$0x3FB8];
	_ =	sdelay $0x3  }
0x33: {  	p0 =	seq.s32 s10, $0x1;
	s10 =	sld [smem:$0x3FBA];
	_ =	sdelay $0x3  }
0x34: {  	[smem:$0x3FBA] =	sst s10  }
0x35: {  	s10 =	sld [smem:$0x3FB9];
	_ =	sdelay $0x3  }
0x36: {  	p1 =	seq.s32 s10, $0x1;
	s10 =	sld [smem:$0x3FBA];
	_ =	sdelay $0x3  }
0x37: {  	[smem:$0x3FBA] =	sst s10  }
0x38: {  	s10 =	sld [smem:$0x3FBB]  }
0x39: {  	_ = 	snop;
	(pc) =	sbr.ind lr, $3  }
0x3a: {  	_ = 	snop  }
0x3b: {  	_ = 	snop  }
0x3c: {  	p2 =	seq.s32 s10, $0x1;
	s10 =	sld [smem:$0x3FBA]  }
0x3d: {  	_ =	shalt  }
0x3e: {  	_ =	shalt  }
0x3f: {  	_ =	shalt  }
0x40: {  	_ =	shalt  }
0x41: {  	_ =	shalt  }
0x42: {  	_ =	shalt  }
0x43: {  	_ =	shalt  }
0x44: {  	_ =	shalt  }
0x45: {  	_ =	shalt  }
0x46: {  	_ =	shalt  }
0x47: {  	_ =	shalt  }
0x48: {  	_ =	shalt  }
0x49: {  	_ =	shalt  }
0x4a: {  	_ =	shalt  }
0x4b: {  	_ =	shalt  }
0x4c: {  	_ =	shalt  }
0x4d: {  	_ =	shalt  }
0x4e: {  	_ =	shalt  }
0x4f: {  	_ =	shalt  }
0x50: {  	_ =	shalt  }
0x51: {  	_ =	shalt  }
0x52: {  	_ =	shalt  }
0x53: {  	_ =	shalt  }
0x54: {  	_ =	shalt  }
0x55: {  	_ =	shalt  }
0x56: {  	_ =	shalt  }
0x57: {  	_ =	shalt  }
0x58: {  	_ =	shalt  }
0x59: {  	_ =	shalt  }
0x5a: {  	_ =	shalt  }
0x5b: {  	_ =	shalt  }
0x5c: {  	_ =	shalt  }
0x5d: {  	_ =	shalt  }
0x5e: {  	_ =	shalt  }
0x5f: {  	_ =	shalt  }
0x60: {  	_ =	shalt  }
0x61: {  	_ =	shalt  }
0x62: {  	_ =	shalt  }
0x63: {  	_ =	shalt  }
0x64: {  	_ =	shalt  }
0x65: {  	_ =	shalt  }
0x66: {  	_ =	shalt  }
0x67: {  	_ =	shalt  }
0x68: {  	_ =	shalt  }
0x69: {  	_ =	shalt  }
0x6a: {  	_ =	shalt  }
0x6b: {  	_ =	shalt  }
0x6c: {  	_ =	shalt  }
0x6d: {  	_ =	shalt  }
0x6e: {  	_ =	shalt  }
0x6f: {  	_ =	shalt  }
0x70: {  	_ =	shalt  }
0x71: {  	_ =	shalt  }
0x72: {  	_ =	shalt  }
0x73: {  	_ =	shalt  }
0x74: {  	_ =	shalt  }
0x75: {  	_ =	shalt  }
0x76: {  	_ =	shalt  }
0x77: {  	_ =	shalt  }
0x78: {  	_ =	shalt  }
0x79: {  	_ =	shalt  }
0x7a: {  	_ =	shalt  }
0x7b: {  	_ =	shalt  }
0x7c: {  	_ =	shalt  }
0x7d: {  	_ =	shalt  }
0x7e: {  	_ =	shalt  }
0x7f: {  	_ =	shalt  }
0x80: {  	_ =	shalt  }
0x81: {  	_ =	shalt  }
0x82: {  	_ =	shalt  }
0x83: {  	_ =	shalt  }
0x84: {  	_ =	shalt  }
0x85: {  	_ =	shalt  }
0x86: {  	_ =	shalt  }
0x87: {  	_ =	shalt  }
.Lfunc_end0:
.L_simem_size_0:
called_computation_lowered:
.L_overlay_start_0:
0x88: {  	s2 =	sld [smem:$0x3FD9]  }
0x89: {  	s3 =	sld [smem:$0x3FFE];
	_ =	sdelay $0x1  }
0x8a: {  	s1 =	srdreg.scid  }
0x8b: {  	s0 =	sand.u32 $0x1, s1  }
0x8c: {  	s16 =	sshll.u32 s0, $0xA;
	s2 =	sadd.s32 s3, s2  }
0x8d: {  	s2 =	sadd.s32 s2, s16  }
0x8e: {  	[smem:$0x3FC6] =	sst s2  }
0x8f: {  	_ = 	snop  }
0x90: {  	(tm) =	ssettm $0x1  }
0x91: {  	s17 =	sld [smem:$0x3FFB];
	_ =	sdelay $0x3  }
0x92: {  	_ =	strace s17  }
0x93: {  	s2 =	sld [smem:$0x3FFC];
	_ =	sdelay $0x3  }
0x94: {  	_ =	strace s2  }
0x95: {  	s2 =	sld [smem:$0x3FFD];
	_ =	sdelay $0x3  }
0x96: {  	_ =	strace s2  }
0x97: {  	_ =	strace $0x8FFFFFFF  }
0x98: {  	s18 =	sld [smem:$0x3FDB];
	_ =	sdelay $0x1  }
0x99: {  	s19 =	simm.s32 $_scs_section_size  }
0x9a: {  	s4 =	simm.s32 $_size__tile_overlayer_lowered;
	s5 =	simm.s32 $_tile_overlayer_lowered  }
0x9b: {  	s22 =	simm.s32 $0x1BFF;
	s21 =	sshll.u32 s5, $0x1;
	s2 =	sadd.s32 s19, s18  }
0x9c: {  	s6 =	simm.s32 $0x0;
	s20 =	sshll.u32 s4, $0x1;
	s4 =	sadd.s32 s21, s2  }
0x9d: {  	[timem:s6], [sflag:s22] =	dma.local [hbm:s4], s20  }
0x9e: {  	_ =	swait.ge [sflag:s22], s20  }
0x9f: {  	s3 =	ssub.s32 $0x0, s20;
	[sflag:s22] =	ssyncset.done $0x0  }
0xa0: {  	[sflag:s22] =	ssyncadd.s32 s3;
	_ =	sdelay $0x1  }
0xa1: {  	s23 =	simm.s32 $0x1B8B  }
0xa2: {  	_ =	swait.ge [sflag:s23], $0x1  }
0xa3: {  	[sflag:s23] =	ssyncset.done $0x0  }
0xa4: {  	s25 =	simm.s32 $0x1B8E;
	s24 =	sld [smem:$0x3FFE];
	[sflag:s23] =	ssyncadd.s32 $0xFFFFFFFF  }
0xa5: {  	s26 =	simm.s32 $execute0_lowered;
	[smem:$0x3FD2] =	sst s25  }
0xa6: {  	s4 =	sshll.u32 s26, $0x1;
	_ =	strace $0x80000046;
	[dreg:$0x1] =	wrdreg $0xFFFFFFFF  }
0xa7: {  	s28 =	simm.s32 $_size_execute0_lowered;
	s2 =	sadd.s32 s2, s4;
	[dreg:$0x0] =	wrdreg $0x0  }
0xa8: {  	s4 =	sshll.u32 s28, $0x1;
	[dreg:$0x2] =	wrdreg s2  }
0xa9: {  	[dreg:$0x3] =	wrdreg s4  }
0xaa: {  	[dreg:$0x4] =	wrdreg $0xC0  }
0xab: {  	_ =	task [dreg:s6], $0x5FFFF  }
0xac: {  	[dreg:$0x1] =	wrdreg $0xFFFFFFFF  }
0xad: {  	[dreg:$0x0] =	wrdreg $0x60  }
0xae: {  	[dreg:$0x2] =	wrdreg s24  }
0xaf: {  	[dreg:$0x3] =	wrdreg $0x9  }
0xb0: {  	_ =	task.clear_ibuf [dreg:s6], $0x4FFFF;
	_ =	strace $0x90000046  }
0xb1: {  	s29 =	simm.s32 $0x9;
	_ =	strace $0x80000048  }
0xb2: {  	_ =	swait.ge [sflag:s29], $0x1  }
0xb3: {  	[sflag:s29] =	ssyncadd.s32 $0xFFFFFFFF  }
0xb4: {  	_ =	strace $0x90000048  }
0xb5: {  	_ =	sfence  }
0xb6: {  	s30 =	sld [smem:$0x0];
	_ =	sdelay $0x2  }
0xb7: {  	s31 =	sshll.u32 s1, $0xD;
	s1 =	sshrl.u32 s1, $0x2  }
0xb8: {  	s3 =	sand.u32 $0x4000, s31;
	s1 =	sadd.s32 s1, s30  }
0xb9: {  	s0 =	sor.u32 s3, s0;
	s1 =	sshll.u32 s1, $0x11  }
0xba: {  	s0 =	sor.u32 s1, s0  }
0xbb: {  	s0 =	sadd.s32 $0x8F2B, s0  }
0xbc: {  	[sflag:s0] =	ssyncadd.remote.s32 $0x1  }
0xbd: {  	_ =	sfence.sel $0xFFFF  }
0xbe: {  	[dreg:$0x0] =	wrdreg $0xFFFFFFFF;
	(pc) =	sbr.abs _section_cstart, $3  }
0xbf: {  	[dreg:$0x1] =	wrdreg $0xFFFFFFFF  }
0xc0: {  	_ =	task.clear_ibuf [dreg:s6], $0x2FFFF;
	_ =	strace $0x9FFFFFFF  }
0xc1: {  	(tm) =	ssettm $0x7FFFFFFF  }
tec
execute0_lowered:
.L_overlay_start_1:
0x0: {  	(tag) =	ssettag $0x1  }
0x1: {  	s1 =	srdreg.scid  }
0x2: {  	s0 =	rddreg [dreg:$0x0];
	s2 =	stileid.u32;
	s1 =	sand.u32 $0x1, s1  }
0x3: {  	s5 =	simm.s32 $0x0;
	s3 =	sshll.u32 s2, $0xA;
	s4 =	sshll.u32 s1, $0x9  }
0x4: {  	[smem:$0x7FF] =	sst s5;
	s3 =	sor.u32 s4, s3  }
0x5: {  	s1 =	ssub.s32 $0x2, s1;
	s4 =	sshll.u32 s3, $0x4;
	s3 =	sadd.s32 s3, s0  }
0x6: {  	_ =	strace $0x80000047;
	s25 =	sshrl.u32 s1, $0x1;
	s26 =	sadd.s32 $0x800, s3  }
0x7: {  	s1 =	ssub.s32 s1, s25;
	s28 =	sadd.s32 $0x900, s3;
	[dreg:$0x2] =	wrdreg s26  }
0x8: {  	s29 =	smax.u32 s1, $0x1;
	[dreg:$0x3] =	wrdreg s28  }
0x9: {  	s30 =	sadd.s32 $0x4800, s3;
	[dreg:$0x5] =	wrdreg s29  }
0xa: {  	s0 =	sadd.s32 s4, s0;
	s31 =	sadd.s32 $0x4900, s3;
	[dreg:$0x6] =	wrdreg s30  }
0xb: {  	v2 =	vlaneseq.u32;
	s0 =	sadd.s32 $0x8800, s0;
	[dreg:$0x7] =	wrdreg s31  }
0xc: {  	s13 =	simm.s32 $0x2000;
	v0 =	vimm.f32 $0.0e+00;
	v1 =	vimm.f32 $1.000000000e+00;
	v2 =	vmul.u32 $0x80, v2;
	s2 =	simm.s32 $0x0;
	[dreg:$0x4] =	wrdreg s0  }
.LBB2_1:
0xd: {  	[dreg:$0x8] =	wrdreg s2  }
0xe: {  	s0 =	rddreg [dreg:$0x2]  }
0xf: {  	[tilespmem:s5], [sflag:$0x1] =	stream.linear.gather [hbm4b:s0+s5], $0x800, $0x38;
	[tilespmem:$0x12000] =	vst v63  }
0x10: {  	s12 =	rddreg [dreg:$0x6];
	s1 =	simm.s32 $0x1000  }
0x11: {  	[tilespmem:s1], [sflag:$0x1] =	stream.linear.gather [hbm4b:s12+s5], $0x800, $0x38;
	[tilespmem:$0x12000] =	vst v63  }
0x12: {  	s14 =	rddreg [dreg:$0x3];
	s15 =	simm.s32 $0x800  }
0x13: {  	[tilespmem:s15], [sflag:$0x2] =	stream.linear.gather [hbm4b:s14+s5], $0x800, $0x38;
	[tilespmem:$0x12000] =	vst v63  }
0x14: {  	s16 =	rddreg [dreg:$0x7];
	s17 =	simm.s32 $0x1800;
	s18 =	simm.s32 $0x1  }
0x15: {  	[tilespmem:s17], [sflag:$0x2] =	stream.linear.gather [hbm4b:s16+s5], $0x800, $0x38;
	[tilespmem:$0x12000] =	vst v63  }
0x16: {  	_ =	swait.ge [sflag:s18], $0x1000  }
0x17: {  	s0 =	simm.s32 $0x30;
	[sflag:s18] =	ssyncset.done $0x0  }
0x18: {  	s19 =	sor.u32 $0x280, s0;
	[sflag:s18] =	ssyncadd.s32 $0xFFFFF000  }
0x19: {  	s4 =	sand.u32 $0x400, s5;
	s6 =	sand.u32 $0x70, s0;
	s20 =	sor.u32 $0x380, s0;
	v3 =	vld [tilespmem:s19+$0x0]  }
0x1a: {  	s3 =	sand.u32 $0x7, s5;
	s21 =	sor.u32 s6, s4;
	v4 =	vld [tilespmem:s20+$0x0]  }
0x1b: {  	s22 =	sshll.u32 s3, $0x4;
	v5 =	vld [tilespmem:s21+$0x0]  }
0x1c: {  	s7 =	sadd.s32 $0x0, s22;
	v6 =	vld [tilespmem:s21+$0x80]  }
0x1d: {  	s23 =	sadd.s32 $0x30, s7;
	v7 =	vld [tilespmem:s21+$0x100]  }
0x1e: {  	s24 =	sor.u32 $0x200, s23;
	v8 =	vld [tilespmem:s21+$0x180]  }
0x1f: {  	s1 =	sor.u32 $0x1080, s4;
	s3 =	sor.u32 $0x300, s23;
	v9 =	vld [tilespmem:s24+$0x0]  }
0x20: {  	s8 =	sor.u32 s6, s1;
	s5 =	sor.u32 $0x1000, s4;
	v10 =	vld [tilespmem:s3+$0x0]  }
0x21: {  	s7 =	sadd.s32 $0x10, s7;
	s10 =	sor.u32 s6, s5;
	v11 =	vld [tilespmem:s8+$0x0]  }
0x22: {  	s25 =	simm.s32 $0x0;
	s29 =	sor.u32 $0x200, s7;
	v12 =	vld [tilespmem:s10+$0x0]  }
0x23: {  	s9 =	sand.u32 $0x3, s25;
	s22 =	simm.s32 $0x10;
	s7 =	sor.u32 $0x300, s7;
	v14 =	vld [tilespmem:s29+$0x0]  }
0x24: {  	p0 =	por $0x0, $0x0;
	s26 =	sshll.u32 s9, $0x5;
	s14 =	sor.u32 $0x280, s22;
	v15 =	vld [tilespmem:s7+$0x0]  }
0x25: {  	s9 =	simm.s32 $0x1;
	s23 =	simm.s32 $0x20;
	s15 =	sor.u32 $0x380, s22;
	v22 =	vld [tilespmem:s14+$0x0]  }
0x26: {  	s9 =	simm.s32 @!p0 $0x0;
	s16 =	sor.u32 $0x280, s23;
	v23 =	vld [tilespmem:s15+$0x0]  }
0x27: {  	s31 =	sshll.u32 s9, $0x6;
	s18 =	sor.u32 $0x380, s23;
	s3 =	sor.u32 $0x1100, s4;
	v24 =	vld [tilespmem:s16+$0x0]  }
0x28: {  	s8 =	sadd.s32 $0x0, s26;
	s10 =	sadd.s32 $0x0, s31;
	v25 =	vld [tilespmem:s18+$0x0];
	s6 =	sor.u32 s6, s3  }
0x29: {  	s30 =	sadd.s32 $0x20, s8;
	s8 =	sor.u32 $0x200, s10;
	v13 =	vld [tilespmem:s6+$0x0]  }
0x2a: {  	s20 =	sand.u32 $0x50, s22;
	s7 =	sor.u32 $0x300, s10;
	v18 =	vld [tilespmem:s8+$0x0]  }
0x2b: {  	s21 =	sor.u32 s20, s4;
	v19 =	vld [tilespmem:s7+$0x0]  }
0x2c: {  	v30 =	vld [tilespmem:s21+$0x0]  }
0x2d: {  	v31 =	vld [tilespmem:s21+$0x80]  }
0x2e: {  	v32 =	vld [tilespmem:s21+$0x100]  }
0x2f: {  	s26 =	sor.u32 s20, s5;
	v33 =	vld [tilespmem:s21+$0x180]  }
0x30: {  	s31 =	sor.u32 s20, s1;
	v38 =	vld [tilespmem:s26+$0x0]  }
0x31: {  	s2 =	sor.u32 $0x200, s30;
	v39 =	vld [tilespmem:s31+$0x0]  }
0x32: {  	s18 =	simm.s32 $0x270;
	s6 =	sor.u32 $0x300, s30;
	v16 =	vld [tilespmem:s2+$0x0]  }
0x33: {  	s7 =	sor.u32 $0x280, s18;
	v17 =	vld [tilespmem:s6+$0x0];
	s6 =	simm.s32 $0x0  }
0x34: {  	s2 =	sor.u32 s20, s3;
	s20 =	simm.s32 $0x70;
	v42 =	vld [tilespmem:s7+$0x0];
	s11 =	sor.u32 $0x280, s6  }
0x35: {  	v55 =	vmov s22;
	v56 =	vmov s23;
	s12 =	sor.u32 $0x380, s6;
	s17 =	sand.u32 $0x40, s6;
	v60 =	vmov s20;
	v20 =	vld [tilespmem:s11+$0x0]  }
0x36: {  	v21 =	vld [tilespmem:s12+$0x0];
	s19 =	sor.u32 s17, s4;
	v3 =	vmax.f32 v9, v3;
	v4 =	vmax.f32 v10, v4;
	v5 =	vmax.f32 v5, v6  }
0x37: {  	v6 =	vmax.f32 v7, v8;
	v8 =	vmov s0;
	v14 =	vmax.f32 v14, v22;
	v26 =	vld [tilespmem:s19+$0x0]  }
0x38: {  	v15 =	vmax.f32 v15, v23;
	v27 =	vld [tilespmem:s19+$0x80];
	v3 =	vmax.f32 v3, v4;
	v4 =	vmax.f32 v5, v6  }
0x39: {  	s24 =	sand.u32 $0x60, s23;
	v28 =	vld [tilespmem:s19+$0x100];
	v14 =	vmax.f32 v14, v15;
	v8 =	vshll.u32 v8, $0x7;
	v3 =	vmax.f32 v3, v12  }
0x3a: {  	s4 =	sor.u32 s24, s4;
	v29 =	vld [tilespmem:s19+$0x180];
	v6 =	vmax.f32 v11, v13;
	v23 =	vmax.f32 v32, v33;
	v14 =	vmax.f32 v14, v38  }
0x3b: {  	v34 =	vld [tilespmem:s4+$0x0];
	v8 =	vor.u32 v2, v8;
	v33 =	vshll.u32 v55, $0x7;
	v5 =	vmax.f32 v4, v3  }
0x3c: {  	v35 =	vld [tilespmem:s4+$0x80];
	v15 =	vmax.f32 v16, v24;
	v16 =	vmax.f32 v17, v25;
	v57 =	vor.u32 $0x1, v8  }
0x3d: {  	v36 =	vld [tilespmem:s4+$0x100];
	v59 =	vor.u32 $0x2, v8;
	v62 =	vor.u32 $0x3, v8;
	v33 =	vor.u32 v2, v33  }
0x3e: {  	s25 =	sor.u32 s17, s5;
	v37 =	vld [tilespmem:s4+$0x180];
	v5 =	vmax.f32 v5, v6;
	v15 =	vmax.f32 v15, v16;
	v53 =	vor.u32 $0x1, v33  }
0x3f: {  	s29 =	sor.u32 s17, s1;
	v10 =	vld [tilespmem:s25+$0x0];
	v54 =	vor.u32 $0x2, v33;
	vm0 =	vge.f32 v4, v5;
	vm1 =	vge.f32 v3, v5  }
0x40: {  	s5 =	sor.u32 s24, s5;
	v9 =	vld [tilespmem:s29+$0x0];
	v3 =	vmov s6;
	vm4 =	vge.f32 v11, v5;
	v18 =	vmax.f32 v18, v20  }
0x41: {  	s30 =	sor.u32 s17, s3;
	v12 =	vld [tilespmem:s5+$0x0];
	v19 =	vmax.f32 v19, v21;
	vm2 =	vmor vm0, vm1;
	vm3 =	vmneg vm0  }
0x42: {  	s9 =	sor.u32 $0x380, s18;
	s19 =	simm.s32 $0x200;
	v13 =	vld [tilespmem:s30+$0x0];
	v4 =	vsel vm0, $0x3F800000, v0;
	v18 =	vmax.f32 v18, v19;
	v16 =	vmax.f32 v26, v27  }
0x43: {  	s8 =	sand.u32 $0x70, s20;
	s26 =	sand.u32 $0x400, s19;
	v20 =	vld [tilespmem:s9+$0x0];
	s9 =	simm.s32 $0x40;
	v21 =	vmax.f32 v28, v29;
	v25 =	vmax.f32 v34, v35;
	v26 =	vmax.f32 v36, v37  }
0x44: {  	v40 =	vld [tilespmem:s2+$0x0];
	s11 =	sor.u32 s8, s26;
	v3 =	vshll.u32 v3, $0x7;
	v35 =	vshll.u32 v56, $0x7;
	v52 =	vmov s9  }
0x45: {  	s17 =	simm.s32 $0x4;
	v17 =	vld [tilespmem:s11+$0x80];
	vm5 =	vmneg vm2;
	vm1 =	vmand vm1, vm3;
	vm13 =	vmor vm4, vm2  }
0x46: {  	s10 =	sand.u32 $0x7, s17;
	v22 =	vld [tilespmem:s11+$0x100];
	v16 =	vmax.f32 v16, v21;
	v21 =	vmax.f32 v30, v31;
	v10 =	vmax.f32 v18, v10  }
0x47: {  	s4 =	sor.u32 s24, s1;
	s12 =	sshll.u32 s10, $0x4;
	v24 =	vld [tilespmem:s11+$0x180];
	v12 =	vmax.f32 v15, v12;
	v13 =	vmax.f32 v9, v13;
	v3 =	vor.u32 v2, v3  }
0x48: {  	s0 =	sadd.s32 $0x200, s12;
	v11 =	vld [tilespmem:s4+$0x0];
	v35 =	vor.u32 v2, v35;
	vm12 =	vmand vm4, vm5;
	v5 =	vsel vm1, $0x3F800000, v0  }
0x49: {  	s14 =	sadd.s32 $0x30, s0;
	s6 =	sor.u32 s24, s3;
	v19 =	vld [tilespmem:s11+$0x0];
	v7 =	vsel vm13, $0x0, v1;
	v21 =	vmax.f32 v21, v23;
	v23 =	vmax.f32 v25, v26  }
0x4a: {  	s15 =	sor.u32 $0x200, s14;
	v41 =	vld [tilespmem:s6+$0x0];
	[tilespmem:v8+s13+$0x0] =	vst.idx.msk $0xffff, v4;
	v25 =	vmax.f32 v16, v10;
	v4 =	vor.u32 $0x1, v3;
	v6 =	vsel vm12, $0x3F800000, v0  }
0x4b: {  	s24 =	sor.u32 $0x1080, s26;
	s3 =	sor.u32 $0x300, s14;
	v18 =	vld [tilespmem:s15+$0x0];
	v27 =	vmax.f32 v21, v14;
	v28 =	vmax.f32 v23, v12;
	v13 =	vmax.f32 v25, v13  }
0x4c: {  	s28 =	sor.u32 $0x1000, s26;
	s16 =	sor.u32 s8, s24;
	v26 =	vld [tilespmem:s3+$0x0];
	[tilespmem:v57+s13+$0x0] =	vst.idx.msk $0xffff, v5;
	v5 =	vor.u32 $0x2, v3;
	vm0 =	vge.f32 v16, v13;
	vm3 =	vge.f32 v10, v13  }
0x4d: {  	s25 =	sor.u32 $0x1100, s26;
	s21 =	sor.u32 s8, s28;
	v15 =	vld [tilespmem:s16+$0x0];
	v10 =	vmax.f32 v39, v40;
	[tilespmem:v59+s13+$0x0] =	vst.idx.msk $0xffff, v6;
	v6 =	vor.u32 $0x3, v3;
	vm5 =	vmneg vm0  }
0x4e: {  	s1 =	sor.u32 s8, s25;
	v25 =	vld [tilespmem:s21+$0x0];
	vm4 =	vmor vm0, vm3;
	v10 =	vmax.f32 v27, v10;
	v17 =	vmax.f32 v19, v17  }
0x4f: {  	v16 =	vld [tilespmem:s1+$0x0];
	v19 =	vmax.f32 v22, v24;
	[tilespmem:v62+s13+$0x0] =	vst.idx.msk $0xffff, v7;
	v62 =	vor.u32 $0x3, v35;
	vm1 =	vge.f32 v21, v10  }
0x50: {  	v18 =	vmax.f32 v18, v42;
	vm9 =	vge.f32 v14, v10;
	v14 =	vmax.f32 v17, v19  }
0x51: {  	vm6 =	vmneg vm4;
	vm3 =	vmand vm3, vm5;
	v20 =	vmax.f32 v26, v20  }
0x52: {  	p0 =	por !p0, !p0;
	s6 =	simm.s32 $0x250;
	vm7 =	vmor vm1, vm9;
	vm14 =	vmneg vm1;
	v27 =	vsel vm1, $0x3F800000, v0  }
0x53: {  	s8 =	simm.s32 $0x260;
	s7 =	sor.u32 $0x280, s6;
	s3 =	simm.s32 $0x1;
	v18 =	vmax.f32 v18, v20;
	vm9 =	vmand vm9, vm14;
	v20 =	vsel vm0, $0x3F800000, v0  }
0x54: {  	s11 =	sand.u32 $0x40, s9;
	s10 =	sor.u32 $0x280, s8;
	v34 =	vld [tilespmem:s7+$0x0];
	s3 =	simm.s32 @!p0 $0x0;
	v17 =	vmax.f32 v18, v25;
	v18 =	vmax.f32 v11, v41;
	v16 =	vmax.f32 v15, v16  }
0x55: {  	s4 =	simm.s32 $0x240;
	s12 =	sor.u32 s11, s26;
	v61 =	vld [tilespmem:s10+$0x0];
	s3 =	sshll.u32 s3, $0x6;
	v25 =	vsel vm9, $0x3F800000, v0;
	v19 =	vmax.f32 v14, v17;
	v18 =	vmax.f32 v28, v18  }
0x56: {  	s5 =	sor.u32 $0x280, s4;
	v43 =	vld [tilespmem:s12+$0x0];
	s2 =	sadd.s32 $0x200, s3;
	v16 =	vmax.f32 v19, v16;
	vm2 =	vge.f32 v23, v18;
	vm8 =	vge.f32 v12, v18  }
0x57: {  	s3 =	sor.u32 $0x200, s2;
	v26 =	vld [tilespmem:s5+$0x0];
	vm14 =	vge.f32 v11, v18;
	vm10 =	vge.f32 v14, v16;
	vm11 =	vge.f32 v17, v16  }
0x58: {  	v18 =	vld [tilespmem:s3+$0x0];
	vm13 =	vge.f32 v15, v16;
	v17 =	vsel vm3, $0x3F800000, v0;
	vm12 =	vmneg vm10  }
0x59: {  	s0 =	sadd.s32 $0x10, s0;
	v44 =	vld [tilespmem:s12+$0x80];
	v32 =	vsel vm2, $0x3F800000, v0;
	vm12 =	vmand vm11, vm12;
	vm11 =	vmor vm10, vm11  }
0x5a: {  	s30 =	sor.u32 $0x200, s0;
	v46 =	vld [tilespmem:s12+$0x100];
	s21 =	simm.s32 $0x2;
	v12 =	vsel vm10, $0x3F800000, v0;
	vm10 =	vmneg vm11;
	v14 =	vsel vm12, $0x3F800000, v0  }
0x5b: {  	s0 =	sor.u32 $0x300, s0;
	s29 =	sand.u32 $0x3, s21;
	v23 =	vld [tilespmem:s30+$0x0];
	vm12 =	vmneg vm7;
	vm11 =	vmor vm13, vm11;
	vm10 =	vmand vm13, vm10  }
0x5c: {  	s1 =	sshll.u32 s29, $0x5;
	v11 =	vld [tilespmem:s0+$0x0];
	s0 =	sor.u32 $0x300, s2;
	vm13 =	vmor vm2, vm8;
	v21 =	vsel vm11, $0x0, v1;
	vm11 =	vmneg vm2  }
0x5d: {  	s1 =	sadd.s32 $0x200, s1;
	v22 =	vld [tilespmem:s0+$0x0];
	s0 =	sor.u32 $0x380, s6;
	v7 =	vmax.f32 v18, v26;
	v19 =	vsel vm10, $0x3F800000, v0;
	vm10 =	vge.f32 v39, v10  }
0x5e: {  	s1 =	sadd.s32 $0x20, s1;
	s3 =	sor.u32 $0x380, s8;
	v58 =	vld [tilespmem:s0+$0x0];
	vm15 =	vmneg vm13;
	vm8 =	vmand vm8, vm11;
	vm11 =	vmor vm14, vm13  }
0x5f: {  	s22 =	simm.s32 $0x60;
	s31 =	sor.u32 $0x200, s1;
	s1 =	sor.u32 $0x300, s1;
	v63 =	vld [tilespmem:s3+$0x0];
	vm13 =	vge.f32 v9, v13;
	v39 =	vshll.u32 v60, $0x7;
	v60 =	vor.u32 $0x2, v35  }
0x60: {  	s3 =	sand.u32 $0x60, s22;
	v9 =	vld [tilespmem:s1+$0x0];
	s1 =	sor.u32 $0x380, s4;
	vm12 =	vmand vm10, vm12;
	vm7 =	vmor vm10, vm7;
	vm10 =	vmand vm14, vm15  }
0x61: {  	s23 =	sor.u32 s3, s26;
	vm15 =	vmand vm13, vm6;
	vm4 =	vmor vm13, vm4;
	v31 =	vld [tilespmem:s1+$0x0];
	v39 =	vor.u32 v2, v39  }
0x62: {  	v59 =	vld [tilespmem:s23+$0x80];
	v30 =	vsel vm8, $0x3F800000, v0;
	v28 =	vsel vm11, $0x0, v1;
	v8 =	vor.u32 $0x1, v39  }
0x63: {  	s14 =	simm.s32 $0x50;
	v11 =	vmax.f32 v11, v58;
	v58 =	vld [tilespmem:s23+$0x0];
	v13 =	vsel vm12, $0x3F800000, v0;
	v15 =	vsel vm15, $0x3F800000, v0  }
0x64: {  	s15 =	sand.u32 $0x50, s14;
	[tilespmem:v33+s13+$0x0] =	vst.idx.msk $0xffff, v27;
	v24 =	vld [tilespmem:s31+$0x0];
	v10 =	vsel vm10, $0x3F800000, v0;
	v29 =	vsel vm7, $0x0, v1;
	v45 =	vor.u32 $0x2, v39  }
0x65: {  	v47 =	vld [tilespmem:s12+$0x180];
	s16 =	sor.u32 s15, s26;
	[tilespmem:v53+s13+$0x0] =	vst.idx.msk $0xffff, v25;
	v16 =	vsel vm4, $0x0, v1;
	v48 =	vor.u32 $0x3, v39;
	v9 =	vmax.f32 v9, v63  }
0x66: {  	v49 =	vld [tilespmem:s16+$0x0];
	v18 =	vmax.f32 v22, v31;
	[tilespmem:v39+s13+$0x0] =	vst.idx.msk $0xffff, v12;
	v12 =	vor.u32 $0x3, v33;
	v31 =	vmov s14  }
0x67: {  	v55 =	vld [tilespmem:s16+$0x80];
	v22 =	vmax.f32 v7, v18;
	[tilespmem:v8+s13+$0x0] =	vst.idx.msk $0xffff, v14;
	v7 =	vmov s22;
	v8 =	vmax.f32 v23, v34  }
0x68: {  	v56 =	vld [tilespmem:s16+$0x100];
	[tilespmem:v35+s13+$0x0] =	vst.idx.msk $0xffff, v32;
	v14 =	vshll.u32 v31, $0x7;
	v34 =	vmax.f32 v58, v59;
	v26 =	vmax.f32 v8, v11  }
0x69: {  	v57 =	vld [tilespmem:s16+$0x180];
	[tilespmem:v45+s13+$0x0] =	vst.idx.msk $0xffff, v19;
	v11 =	vor.u32 $0x1, v35;
	v8 =	vshll.u32 v52, $0x7;
	v19 =	vmax.f32 v24, v61  }
0x6a: {  	[tilespmem:v54+s13+$0x0] =	vst.idx.msk $0xffff, v13;
	v63 =	vld [tilespmem:s23+$0x180];
	v7 =	vshll.u32 v7, $0x7;
	v18 =	vor.u32 v2, v8;
	v8 =	vor.u32 v2, v14  }
0x6b: {  	s30 =	sor.u32 s3, s28;
	v61 =	vld [tilespmem:s23+$0x100];
	v27 =	vmax.f32 v19, v9;
	v9 =	vmax.f32 v43, v44;
	v14 =	vmax.f32 v46, v47  }
0x6c: {  	s29 =	sor.u32 s15, s28;
	v32 =	vld [tilespmem:s30+$0x0];
	[tilespmem:v48+s13+$0x0] =	vst.idx.msk $0xffff, v21;
	v7 =	vor.u32 v2, v7;
	v21 =	vmax.f32 v9, v14;
	v25 =	vor.u32 $0x1, v18  }
0x6d: {  	s26 =	sor.u32 s11, s28;
	v33 =	vld [tilespmem:s29+$0x0];
	v23 =	vor.u32 $0x2, v18;
	v9 =	vmax.f32 v49, v55;
	v24 =	vor.u32 $0x3, v18;
	[tilespmem:v12+s13+$0x0] =	vst.idx.msk $0xffff, v29  }
0x6e: {  	p0 =	por !p0, !p0;
	s31 =	sor.u32 s11, s24;
	v31 =	vld [tilespmem:s26+$0x0];
	v14 =	vor.u32 $0x1, v8;
	v13 =	vor.u32 $0x2, v8;
	v29 =	vmax.f32 v56, v57;
	[tilespmem:v11+s13+$0x0] =	vst.idx.msk $0xffff, v30  }
0x6f: {  	s0 =	sor.u32 s11, s25;
	s28 =	sor.u32 s15, s24;
	s26 =	sor.u32 s15, s25;
	v19 =	vld [tilespmem:s31+$0x0];
	v12 =	vor.u32 $0x3, v8;
	v29 =	vmax.f32 v9, v29;
	v9 =	vor.u32 $0x2, v7;
	[tilespmem:v60+s13+$0x0] =	vst.idx.msk $0xffff, v10  }
0x70: {  	s22 =	simm.s32 $0x4;
	s23 =	sor.u32 s3, s24;
	s24 =	sor.u32 s3, s25;
	v11 =	vor.u32 $0x1, v7;
	v30 =	vld [tilespmem:s0+$0x0];
	v35 =	vmax.f32 v61, v63;
	v10 =	vor.u32 $0x3, v7;
	[tilespmem:v62+s13+$0x0] =	vst.idx.msk $0xffff, v28  }
.LBB2_2:
0x71: {  	v28 =	vld [tilespmem:s28+$0x0]  }
0x72: {  	[tilespmem:v3+s13+$0x0] =	vst.idx.msk $0xffff, v20;
	v20 =	vld [tilespmem:s26+$0x0]  }
0x73: {  	[tilespmem:v4+s13+$0x0] =	vst.idx.msk $0xffff, v17  }
0x74: {  	[tilespmem:v5+s13+$0x0] =	vst.idx.msk $0xffff, v15  }
0x75: {  	s0 =	simm.s32 $0x1;
	s17 =	sadd.s32 $0x4, s17;
	s18 =	sadd.s32 $0x240, s18;
	v56 =	vimm.s32 $0x0;
	v4 =	vmovc v25;
	v25 =	vld [tilespmem:s23+$0x0];
	v27 =	vmax.f32 v27, v32;
	[tilespmem:v6+s13+$0x0] =	vst.idx.msk $0xffff, v16;
	v22 =	vmax.f32 v22, v31  }
0x76: {  	s19 =	sadd.s32 $0x200, s19;
	s20 =	sadd.s32 $0x40, s20;
	s0 =	simm.s32 @!p0 $0x0;
	v15 =	vld [tilespmem:s24+$0x0];
	v6 =	vmovc v24;
	v31 =	vmax.f32 v34, v35;
	v26 =	vmax.f32 v26, v33;
	v24 =	vmax.f32 v19, v30  }
0x77: {  	v3 =	vmovc v18;
	s5 =	sor.u32 $0x280, s18;
	s3 =	sand.u32 $0x70, s20;
	s25 =	sor.u32 $0x380, s18;
	v18 =	vmax.f32 v21, v22;
	v17 =	vmax.f32 v29, v26;
	v20 =	vmax.f32 v28, v20  }
0x78: {  	s6 =	sand.u32 $0x7, s17;
	s4 =	sshll.u32 s0, $0x6;
	v5 =	vmovc v23;
	s0 =	sand.u32 $0x400, s19;
	v16 =	vld [tilespmem:s5+$0x0];
	v23 =	vmax.f32 v31, v27;
	v18 =	vmax.f32 v18, v24;
	v17 =	vmax.f32 v17, v20  }
0x79: {  	s26 =	sshll.u32 s6, $0x4;
	s9 =	sor.u32 s3, s0;
	v30 =	vld [tilespmem:s25+$0x0];
	vm0 =	vge.f32 v21, v18;
	v21 =	vimm.s32 $0x0;
	vm1 =	vge.f32 v22, v18  }
0x7a: {  	s16 =	sadd.s32 s19, s26;
	v24 =	vld [tilespmem:s9+$0x0];
	v22 =	vimm.s32 $0x0;
	vm14 =	vge.f32 v29, v17;
	vm10 =	vge.f32 v26, v17  }
0x7b: {  	s21 =	sadd.s32 $0x2, s21;
	s5 =	sadd.s32 $0x30, s16;
	v20 =	vld [tilespmem:s9+$0x100];
	v15 =	vmax.f32 v25, v15;
	vm5 =	vge.f32 v28, v17;
	v17 =	vimm.s32 $0x0  }
0x7c: {  	s1 =	sand.u32 $0x3, s21;
	s23 =	sor.u32 $0x200, s5;
	v26 =	vld [tilespmem:s9+$0x180];
	v21 =	vsel vm0, $0xFFFFFFFF, v21;
	vm2 =	vmneg vm0;
	vm0 =	vmor vm0, vm1  }
0x7d: {  	s12 =	sadd.s32 $0xFFFFFFE0, s20;
	s1 =	sshll.u32 s1, $0x5;
	s5 =	sor.u32 $0x300, s5;
	v29 =	vld [tilespmem:s23+$0x0];
	v15 =	vmax.f32 v23, v15;
	[tilespmem:$0x1FFF0] =	vst v21;
	v21 =	vimm.s32 $0x0;
	v22 =	vsel vm2, $0xFFFFFFFF, v22  }
0x7e: {  	s7 =	sadd.s32 s19, s1;
	s29 =	sadd.s32 s4, s19;
	s4 =	sor.u32 $0x1080, s0;
	v23 =	vmov s12;
	vm6 =	vge.f32 v27, v15;
	v27 =	vld [tilespmem:s5+$0x0];
	v21 =	vsel vm1, $0xFFFFFFFF, v21;
	[tilespmem:$0x1FFB0] =	vst v22  }
0x7f: {  	s31 =	sadd.s32 $0x20, s7;
	s7 =	sor.u32 $0x1000, s0;
	s15 =	sor.u32 s3, s4;
	vm12 =	vmneg vm14;
	vm8 =	vge.f32 v31, v15;
	v22 =	vimm.s32 $0x0;
	[tilespmem:$0x1FFC0] =	vst v21;
	v21 =	vld [tilespmem:s9+$0x80]  }
0x80: {  	s8 =	sadd.s32 $0xFFFFFFD0, s20;
	s25 =	sor.u32 s3, s7;
	v55 =	vld [tilespmem:s15+$0x0];
	vm13 =	vmneg vm0;
	s5 =	sor.u32 $0x1100, s0;
	v33 =	vsel vm12, $0xFFFFFFFF, v56;
	v22 =	vsel vm0, $0xFFFFFFFF, v22  }
0x81: {  	v57 =	vld [tilespmem:s25+$0x0];
	vm12 =	vge.f32 v19, v18;
	s3 =	sor.u32 s3, s5;
	vm15 =	vmneg vm8;
	[tilespmem:$0x1FFD0] =	vst v22;
	v22 =	vmov s8  }
0x82: {  	v17 =	vsel vm15, $0xFFFFFFFF, v17;
	vm15 =	vge.f32 v25, v15;
	v15 =	vshll.u32 v22, $0x7;
	v22 =	vld [tilespmem:s3+$0x0]  }
0x83: {  	vm9 =	vmor vm8, vm6;
	v16 =	vmax.f32 v29, v16;
	v20 =	vmax.f32 v20, v26  }
0x84: {  	s10 =	sadd.s32 $0x10, s16;
	v25 =	vmax.f32 v27, v30;
	v27 =	vmov s20;
	v21 =	vmax.f32 v24, v21  }
0x85: {  	s11 =	sadd.s32 $0xFFFFFFD0, s18;
	s26 =	sor.u32 $0x200, s10;
	v16 =	vmax.f32 v16, v25;
	v20 =	vmax.f32 v21, v20;
	v21 =	vshll.u32 v27, $0x7  }
0x86: {  	s2 =	sor.u32 $0x200, s31;
	s28 =	sor.u32 $0x300, s31;
	s31 =	sor.u32 $0x280, s11;
	v18 =	vld [tilespmem:s26+$0x0];
	vm0 =	vmneg vm9;
	v16 =	vmax.f32 v16, v57;
	v21 =	vor.u32 v2, v21  }
0x87: {  	s30 =	sor.u32 $0x200, s29;
	[tilespmem:$0x1FFA0] =	vst v17;
	v17 =	vshll.u32 v23, $0x7;
	v30 =	vld [tilespmem:s31+$0x0];
	v26 =	vmax.f32 v20, v16;
	v22 =	vmax.f32 v55, v22  }
0x88: {  	s29 =	sor.u32 $0x300, s29;
	vm0 =	vmand vm15, vm0;
	v23 =	vimm.s32 $0x0;
	v25 =	vld [tilespmem:s30+$0x0];
	v22 =	vmax.f32 v26, v22  }
0x89: {  	s11 =	sor.u32 $0x380, s11;
	v23 =	vsel vm0, $0xFFFFFFFF, v23;
	v27 =	vld [tilespmem:s29+$0x0];
	v26 =	vor.u32 $0x1, v21;
	vm0 =	vge.f32 v20, v22  }
0x8a: {  	s14 =	sadd.s32 $0xFFFFFFF0, s20;
	s24 =	sadd.s32 $0xFFFFFFE0, s18;
	[tilespmem:$0x1FF90] =	vst v33;
	vm1 =	vge.f32 v16, v22;
	v20 =	vld [tilespmem:s11+$0x0];
	vm3 =	vge.f32 v55, v22;
	v22 =	vsel vm0, $0x3F800000, v0  }
0x8b: {  	s15 =	sor.u32 $0x280, s24;
	v31 =	vmov s14;
	[tilespmem:v21+s13+$0x0] =	vst.idx.msk $0xffff, v22;
	v22 =	vld [tilespmem:$0x1FF90]  }
0x8c: {  	s6 =	sor.u32 $0x380, s24;
	v19 =	vshll.u32 v31, $0x7;
	v31 =	vld [tilespmem:s15+$0x0];
	vm4 =	vmneg vm0;
	vm2 =	vmor vm0, vm1  }
0x8d: {  	s16 =	sadd.s32 $0xFFFFFFF0, s18;
	v58 =	vld [tilespmem:s6+$0x0];
	v29 =	vor.u32 $0x2, v21;
	vm1 =	vmand vm1, vm4;
	vm4 =	vmneg vm2  }
0x8e: {  	v28 =	vld [tilespmem:s2+$0x0];
	s2 =	sor.u32 $0x280, s16;
	s12 =	sand.u32 $0x50, s12;
	v16 =	vor.u32 $0x3, v21;
	vm4 =	vmand vm3, vm4;
	v21 =	vsel vm1, $0x3F800000, v0  }
0x8f: {  	v59 =	vld [tilespmem:s2+$0x0];
	s9 =	sor.u32 s12, s0;
	[tilespmem:v26+s13+$0x0] =	vst.idx.msk $0xffff, v21;
	v21 =	vsel vm4, $0x3F800000, v0  }
0x90: {  	v63 =	vld [tilespmem:s9+$0x180];
	v20 =	vmax.f32 v27, v20;
	vm4 =	vnez.u8 v22;
	v22 =	vmax.f32 v25, v30  }
0x91: {  	s10 =	sor.u32 $0x300, s10;
	s14 =	sand.u32 $0x60, s14;
	s8 =	sand.u32 $0x40, s8;
	v22 =	vmax.f32 v22, v20;
	v20 =	vmax.f32 v18, v31;
	v18 =	vld [tilespmem:$0x1FFB0]  }
0x92: {  	s3 =	sor.u32 s8, s0;
	s0 =	sor.u32 s14, s0;
	[tilespmem:$0x1FFE0] =	vst v23;
	v23 =	vld [tilespmem:s10+$0x0]  }
0x93: {  	vm7 =	vmor vm14, vm10;
	v38 =	vld [tilespmem:s0+$0x0]  }
0x94: {  	vm11 =	vmneg vm7;
	v39 =	vld [tilespmem:s0+$0x80]  }
0x95: {  	vm11 =	vmand vm5, vm11;
	v41 =	vld [tilespmem:s0+$0x100]  }
0x96: {  	vm0 =	vmor vm5, vm7;
	vm1 =	vmor vm3, vm2;
	vm5 =	vnez.u8 v18;
	v18 =	vld [tilespmem:$0x1FFC0]  }
0x97: {  	v24 =	vld [tilespmem:s28+$0x0];
	[tilespmem:v29+s13+$0x0] =	vst.idx.msk $0xffff, v21;
	v21 =	vsel vm1, $0x0, v1  }
0x98: {  	s16 =	sor.u32 $0x380, s16;
	[tilespmem:v16+s13+$0x0] =	vst.idx.msk $0xffff, v21;
	v16 =	vld [tilespmem:$0x1FFA0]  }
0x99: {  	v25 =	vld [tilespmem:s16+$0x0]  }
0x9a: {  	vm15 =	vmor vm15, vm9;
	v42 =	vld [tilespmem:s0+$0x180]  }
0x9b: {  	vm9 =	vnez.u8 v18;
	v18 =	vor.u32 v2, v15;
	v15 =	vmax.f32 v23, v58;
	v23 =	vld [tilespmem:$0x1FFD0]  }
0x9c: {  	v29 =	vld [tilespmem:s3+$0x0]  }
0x9d: {  	v21 =	vld [tilespmem:s3+$0x100];
	v30 =	vor.u32 v2, v17;
	vm4 =	vmand vm10, vm4;
	vm10 =	vnez.u8 v16  }
0x9e: {  	v16 =	vld [tilespmem:s3+$0x80];
	v17 =	vmax.f32 v24, v25;
	v26 =	vmax.f32 v20, v15;
	v15 =	vmax.f32 v28, v59  }
0x9f: {  	v27 =	vmax.f32 v15, v17;
	v17 =	vld [tilespmem:$0x1FFE0]  }
0xa0: {  	vm6 =	vmand vm6, vm10;
	vm10 =	vnez.u8 v23;
	v23 =	vld [tilespmem:s3+$0x180]  }
0xa1: {  	vm13 =	vmand vm12, vm13;
	v19 =	vor.u32 v2, v19;
	v24 =	vld [tilespmem:s9+$0x80]  }
0xa2: {  	v40 =	vsel vm8, $0x3F800000, v0;
	v43 =	vor.u32 $0x3, v19;
	v37 =	vsel vm15, $0x0, v1;
	v28 =	vld [tilespmem:s9+$0x0]  }
0xa3: {  	s1 =	sor.u32 s8, s7;
	v34 =	vmax.f32 v38, v39;
	v35 =	vmax.f32 v41, v42;
	v20 =	vmax.f32 v29, v16;
	v29 =	vld [tilespmem:s9+$0x100]  }
0xa4: {  	s25 =	sor.u32 s8, s5;
	s29 =	sor.u32 s8, s4;
	s8 =	sor.u32 s14, s7;
	v62 =	vsel vm0, $0x0, v1;
	[tilespmem:v7+s13+$0x0] =	vst.idx.msk $0xffff, v40;
	v31 =	vsel vm11, $0x3F800000, v0;
	v36 =	vsel vm6, $0x3F800000, v0  }
0xa5: {  	v32 =	vld [tilespmem:s8+$0x0];
	v15 =	vsel vm13, $0x3F800000, v0;
	vm13 =	vnez.u8 v17;
	v21 =	vmax.f32 v21, v23  }
0xa6: {  	s22 =	sadd.s32 $0x4, s22;
	v61 =	vsel vm4, $0x3F800000, v0;
	[tilespmem:v11+s13+$0x0] =	vst.idx.msk $0xffff, v36;
	v60 =	vsel vm13, $0x3F800000, v0;
	v21 =	vmax.f32 v20, v21;
	v20 =	vld [tilespmem:$0x1FFF0]  }
0xa7: {  	p1 =	slt.u32 s22, $0xC;
	v7 =	vmovc v19;
	vm1 =	vmand vm9, vm5;
	v25 =	vor.u32 $0x1, v18;
	[tilespmem:v9+s13+$0x0] =	vst.idx.msk $0xffff, v60;
	v23 =	vsel vm14, $0x3F800000, v0  }
.Ltmp0:
0xa8: {  	vm2 =	vmor vm12, vm10;
	v28 =	vmax.f32 v28, v24;
	v29 =	vmax.f32 v29, v63;
	[tilespmem:v8+s13+$0x0] =	vst.idx.msk $0xffff, v23;
	(pc) =	sbr.rel @p1 .LBB2_2-.Ltmp0, $4  }
0xa9: {  	v29 =	vmax.f32 v28, v29;
	v28 =	vor.u32 $0x2, v19;
	v8 =	vmovc v30;
	v30 =	vor.u32 $0x1, v19;
	v19 =	vld [tilespmem:s29+$0x0];
	[tilespmem:v14+s13+$0x0] =	vst.idx.msk $0xffff, v61  }
0xaa: {  	v24 =	vor.u32 $0x3, v18;
	v17 =	vsel vm1, $0x3F800000, v0;
	v16 =	vsel vm2, $0x0, v1;
	v11 =	vmovc v30;
	v30 =	vld [tilespmem:s25+$0x0];
	[tilespmem:v13+s13+$0x0] =	vst.idx.msk $0xffff, v31  }
0xab: {  	p0 =	por !p0, !p0;
	s26 =	sor.u32 s12, s5;
	s30 =	sor.u32 s12, s7;
	v23 =	vor.u32 $0x2, v18;
	v14 =	vor.u32 $0x1, v8;
	v31 =	vld [tilespmem:s1+$0x0];
	[tilespmem:v12+s13+$0x0] =	vst.idx.msk $0xffff, v62;
	vm15 =	vnez.u8 v20  }
0xac: {  	s23 =	sor.u32 s14, s4;
	s24 =	sor.u32 s14, s5;
	s28 =	sor.u32 s12, s4;
	v9 =	vmovc v28;
	[tilespmem:v10+s13+$0x0] =	vst.idx.msk $0xffff, v37;
	v10 =	vmovc v43;
	v13 =	vor.u32 $0x2, v8;
	v12 =	vor.u32 $0x3, v8;
	v33 =	vld [tilespmem:s30+$0x0];
	v20 =	vsel vm15, $0x3F800000, v0  }
0xad: {  	v28 =	vld [tilespmem:s28+$0x0]  }
0xae: {  	v36 =	vld [tilespmem:s26+$0x0]  }
0xaf: {  	v37 =	vld [tilespmem:s23+$0x0]  }
0xb0: {  	v59 =	vld [tilespmem:s24+$0x0]  }
0xb1: {  	v34 =	vmax.f32 v34, v35  }
0xb2: {  	v27 =	vmax.f32 v27, v32;
	[tilespmem:v3+s13+$0x0] =	vst.idx.msk $0xffff, v20;
	v26 =	vmax.f32 v26, v33  }
0xb3: {  	[tilespmem:v4+s13+$0x0] =	vst.idx.msk $0xffff, v17;
	v38 =	vmax.f32 v29, v26;
	v36 =	vmax.f32 v28, v36  }
0xb4: {  	v4 =	vmax.f32 v19, v30;
	v22 =	vmax.f32 v22, v31;
	v31 =	vmax.f32 v38, v36  }
0xb5: {  	v3 =	vmax.f32 v37, v59;
	vm0 =	vge.f32 v29, v31;
	v29 =	vmax.f32 v21, v22  }
0xb6: {  	vm1 =	vge.f32 v26, v31;
	v26 =	vmax.f32 v34, v27;
	vm4 =	vge.f32 v28, v31  }
0xb7: {  	vm2 =	vmor vm0, vm1;
	vm3 =	vmneg vm0;
	v3 =	vmax.f32 v26, v3  }
0xb8: {  	[tilespmem:v5+s13+$0x0] =	vst.idx.msk $0xffff, v15;
	v5 =	vsel vm0, $0x3F800000, v0;
	vm1 =	vmand vm1, vm3;
	vm3 =	vmneg vm2  }
0xb9: {  	[tilespmem:v6+s13+$0x0] =	vst.idx.msk $0xffff, v16;
	vm2 =	vmor vm4, vm2;
	vm15 =	vge.f32 v34, v3;
	vm0 =	vge.f32 v27, v3  }
0xba: {  	[tilespmem:v8+s13+$0x0] =	vst.idx.msk $0xffff, v5;
	vm3 =	vmand vm4, vm3;
	v6 =	vsel vm1, $0x3F800000, v0;
	vm1 =	vmneg vm15  }
0xbb: {  	vm1 =	vmand vm0, vm1;
	vm0 =	vmor vm15, vm0;
	v5 =	vsel vm3, $0x3F800000, v0;
	[tilespmem:v14+s13+$0x0] =	vst.idx.msk $0xffff, v6  }
0xbc: {  	v6 =	vsel vm2, $0x0, v1;
	vm2 =	vge.f32 v37, v3;
	v3 =	vsel vm15, $0x3F800000, v0;
	[tilespmem:v13+s13+$0x0] =	vst.idx.msk $0xffff, v5  }
0xbd: {  	v4 =	vmax.f32 v29, v4;
	vm3 =	vmneg vm0;
	vm0 =	vmor vm2, vm0;
	[tilespmem:v7+s13+$0x0] =	vst.idx.msk $0xffff, v3  }
0xbe: {  	v5 =	vsel vm1, $0x3F800000, v0;
	vm3 =	vmand vm2, vm3;
	[tilespmem:v12+s13+$0x0] =	vst.idx.msk $0xffff, v6;
	vm2 =	vge.f32 v21, v4  }
0xbf: {  	vm1 =	vge.f32 v22, v4;
	[tilespmem:v11+s13+$0x0] =	vst.idx.msk $0xffff, v5;
	v3 =	vsel vm3, $0x3F800000, v0;
	vm3 =	vmneg vm2  }
0xc0: {  	v5 =	vsel vm0, $0x0, v1;
	vm3 =	vmand vm1, vm3;
	vm1 =	vmor vm2, vm1;
	[tilespmem:v9+s13+$0x0] =	vst.idx.msk $0xffff, v3  }
0xc1: {  	v3 =	vsel vm2, $0x3F800000, v0;
	vm2 =	vge.f32 v19, v4;
	vm0 =	vmneg vm1;
	[tilespmem:v10+s13+$0x0] =	vst.idx.msk $0xffff, v5  }
0xc2: {  	v4 =	vsel vm3, $0x3F800000, v0;
	[tilespmem:v18+s13+$0x0] =	vst.idx.msk $0xffff, v3;
	vm0 =	vmand vm2, vm0  }
0xc3: {  	s1 =	simm.s32 $0x0;
	vm1 =	vmor vm2, vm1;
	[tilespmem:v25+s13+$0x0] =	vst.idx.msk $0xffff, v4;
	v3 =	vsel vm0, $0x3F800000, v0  }
0xc4: {  	s2 =	sand.u32 $0x7, s1;
	v4 =	vsel vm1, $0x0, v1;
	[tilespmem:v23+s13+$0x0] =	vst.idx.msk $0xffff, v3  }
0xc5: {  	s0 =	simm.s32 $0x2;
	s2 =	sshll.u32 s2, $0x4;
	[tilespmem:v24+s13+$0x0] =	vst.idx.msk $0xffff, v4  }
0xc6: {  	s2 =	sadd.s32 $0x800, s2;
	_ =	swait.ge [sflag:s0], $0x1000  }
0xc7: {  	s7 =	sadd.s32 $0x10, s2;
	[sflag:s0] =	ssyncset.done $0x0  }
0xc8: {  	s2 =	sadd.s32 $0x30, s2;
	s21 =	sor.u32 $0x200, s7;
	[sflag:s0] =	ssyncadd.s32 $0xFFFFF000  }
0xc9: {  	s22 =	sor.u32 $0x280, s2;
	v5 =	vld [tilespmem:s21+$0x0]  }
0xca: {  	s8 =	sor.u32 $0x300, s7;
	v6 =	vld [tilespmem:s22+$0x0]  }
0xcb: {  	s4 =	simm.s32 $0x100;
	s24 =	sor.u32 $0x200, s2;
	v7 =	vld [tilespmem:s8+$0x0]  }
0xcc: {  	s6 =	simm.s32 $0x110;
	s2 =	sor.u32 $0x300, s2;
	s0 =	simm.s32 $0x800;
	v8 =	vld [tilespmem:s24+$0x0]  }
0xcd: {  	s25 =	simm.s32 $0x130;
	s7 =	sor.u32 $0x280, s7;
	s3 =	sor.u32 s4, s0;
	v12 =	vld [tilespmem:s2+$0x0]  }
0xce: {  	s23 =	sand.u32 $0x3, s1;
	s5 =	sor.u32 s6, s0;
	v10 =	vld [tilespmem:s7+$0x0];
	s3 =	sor.u32 $0x380, s3  }
0xcf: {  	s1 =	sand.u32 $0xC00, s0;
	s19 =	sor.u32 s25, s0;
	s20 =	sor.u32 $0x380, s5;
	v3 =	vld [tilespmem:s3+$0x0]  }
0xd0: {  	s10 =	sand.u32 $0x70, s25;
	s11 =	sor.u32 $0x1100, s1;
	s7 =	sor.u32 $0x380, s19;
	v4 =	vld [tilespmem:s20+$0x0]  }
0xd1: {  	s12 =	sor.u32 $0x1000, s1;
	s29 =	sor.u32 s10, s11;
	v29 =	vld [tilespmem:s7+$0x0]  }
0xd2: {  	s3 =	sor.u32 $0x1080, s1;
	s30 =	sor.u32 s10, s12;
	v9 =	vld [tilespmem:s29+$0x0]  }
0xd3: {  	s14 =	sor.u32 s10, s3;
	v15 =	vld [tilespmem:s30+$0x0]  }
0xd4: {  	s10 =	sor.u32 s10, s1;
	v11 =	vld [tilespmem:s14+$0x0]  }
0xd5: {  	v17 =	vld [tilespmem:s10+$0x180]  }
0xd6: {  	v18 =	vld [tilespmem:s10+$0x0]  }
0xd7: {  	p0 =	por $0x0, $0x0;
	s5 =	simm.s32 $0x1;
	s20 =	sand.u32 $0x40, s4;
	v19 =	vld [tilespmem:s10+$0x80]  }
0xd8: {  	s5 =	simm.s32 @!p0 $0x0;
	s21 =	sor.u32 s20, s12;
	v23 =	vld [tilespmem:s10+$0x100]  }
0xd9: {  	s28 =	sshll.u32 s23, $0x5;
	s5 =	sshll.u32 s5, $0x6;
	s24 =	sor.u32 s20, s11;
	v20 =	vld [tilespmem:s21+$0x0]  }
0xda: {  	s2 =	sadd.s32 $0x800, s28;
	s29 =	sor.u32 s20, s1;
	s9 =	sadd.s32 $0x800, s5;
	v21 =	vld [tilespmem:s24+$0x0]  }
0xdb: {  	s5 =	sadd.s32 $0x20, s2;
	v63 =	vld [tilespmem:s29+$0x100];
	s26 =	sor.u32 $0x200, s9  }
0xdc: {  	s14 =	sand.u32 $0x50, s6;
	s31 =	sor.u32 $0x280, s5;
	v14 =	vld [tilespmem:s26+$0x0]  }
0xdd: {  	s15 =	sor.u32 s14, s12;
	v16 =	vld [tilespmem:s31+$0x0]  }
0xde: {  	s17 =	sor.u32 $0x200, s5;
	v24 =	vld [tilespmem:s15+$0x0]  }
0xdf: {  	s18 =	sor.u32 $0x280, s9;
	v26 =	vld [tilespmem:s17+$0x0]  }
0xe0: {  	s22 =	sor.u32 s14, s1;
	v27 =	vld [tilespmem:s18+$0x0]  }
0xe1: {  	v31 =	vmov s25;
	v30 =	vld [tilespmem:s22+$0x180]  }
0xe2: {  	v62 =	vshll.u32 v31, $0x7;
	s9 =	sor.u32 $0x300, s9;
	v60 =	vld [tilespmem:s22+$0x100]  }
0xe3: {  	v13 =	vmov s6;
	v22 =	vmov s4;
	v6 =	vmax.f32 v8, v6;
	v28 =	vld [tilespmem:s9+$0x0]  }
0xe4: {  	s23 =	simm.s32 $0x120;
	v31 =	vld [tilespmem:s29+$0x80];
	s16 =	sor.u32 s14, s11;
	v5 =	vmax.f32 v5, v10;
	v4 =	vmax.f32 v7, v4;
	v7 =	vshll.u32 v13, $0x7  }
0xe5: {  	s25 =	sand.u32 $0x60, s23;
	s2 =	sor.u32 s14, s3;
	v25 =	vld [tilespmem:s16+$0x0];
	v12 =	vmax.f32 v12, v29;
	v4 =	vmax.f32 v5, v4;
	v5 =	vmov s23  }
0xe6: {  	s26 =	sor.u32 s25, s12;
	v13 =	vld [tilespmem:s2+$0x0];
	v61 =	vmax.f32 v11, v9;
	v8 =	vmax.f32 v18, v19;
	v23 =	vmax.f32 v23, v17  }
0xe7: {  	v10 =	vld [tilespmem:s26+$0x0];
	v5 =	vshll.u32 v5, $0x7;
	v18 =	vmax.f32 v26, v16;
	v17 =	vmax.f32 v60, v30  }
0xe8: {  	s28 =	sor.u32 s25, s11;
	v16 =	vmax.f32 v4, v24;
	v4 =	vmax.f32 v14, v27;
	v3 =	vmax.f32 v28, v3;
	v30 =	vld [tilespmem:s29+$0x180]  }
0xe9: {  	v9 =	vld [tilespmem:s28+$0x0];
	v5 =	vor.u32 v2, v5;
	v28 =	vmax.f32 v4, v3;
	v3 =	vmax.f32 v6, v12  }
0xea: {  	v19 =	vld [tilespmem:s22+$0x80];
	v14 =	vor.u32 v2, v7;
	v4 =	vmax.f32 v8, v23;
	v23 =	vmax.f32 v3, v15  }
0xeb: {  	s0 =	sor.u32 s23, s0;
	s19 =	sor.u32 s25, s1;
	s31 =	sor.u32 s25, s3;
	v24 =	vld [tilespmem:s22+$0x0];
	v7 =	vor.u32 $0x2, v5;
	v27 =	vmax.f32 v13, v25;
	v6 =	vmax.f32 v4, v23  }
0xec: {  	p0 =	por !p0, !p0;
	s30 =	sor.u32 s20, s3;
	s20 =	simm.s32 $0xA00;
	v8 =	vor.u32 $0x1, v14;
	v12 =	vld [tilespmem:s31+$0x0];
	v3 =	vor.u32 $0x3, v5;
	v26 =	vmax.f32 v6, v61  }
0xed: {  	s24 =	sor.u32 $0x380, s0;
	s21 =	simm.s32 $0x4;
	s17 =	simm.s32 $0x10;
	v25 =	vld [tilespmem:s30+$0x0];
	v6 =	vor.u32 v2, v62;
	v30 =	vmax.f32 v63, v30;
	vm1 =	vge.f32 v4, v26  }
0xee: {  	s18 =	simm.s32 $0x140;
	s23 =	sor.u32 $0x300, s5;
	s22 =	simm.s32 $0x2;
	v15 =	vld [tilespmem:s29+$0x0];
	v4 =	vor.u32 $0x3, v14;
	vm0 =	vmneg vm1;
	v29 =	vsel vm1, $0x3F800000, v0  }
.LBB2_4:
0xef: {  	s0 =	sand.u32 $0x3, s22;
	s1 =	simm.s32 $0x1  }
0xf0: {  	s2 =	sor.u32 s18, s20;
	s3 =	sand.u32 $0x7, s21;
	s4 =	sadd.s32 $0x10, s18  }
0xf1: {  	v24 =	vmax.f32 v24, v19;
	v32 =	vld [tilespmem:s23+$0x0];
	v19 =	vor.u32 $0x1, v5;
	vm2 =	vge.f32 v11, v26;
	s28 =	sadd.s32 $0x20, s18;
	s9 =	sadd.s32 $0x30, s18;
	s1 =	simm.s32 @!p0 $0x0  }
0xf2: {  	v11 =	vshll.u32 v22, $0x7;
	s31 =	simm.s32 $0x2000;
	s0 =	sshll.u32 s0, $0x5;
	v24 =	vmax.f32 v24, v17;
	v17 =	vor.u32 $0x2, v14;
	s2 =	sor.u32 $0x380, s2;
	v33 =	vld [tilespmem:s24+$0x0]  }
0xf3: {  	s5 =	sor.u32 s4, s20;
	v11 =	vor.u32 v2, v11;
	s3 =	sshll.u32 s3, $0x4;
	s0 =	sadd.s32 s20, s0;
	v22 =	vmax.f32 v15, v31;
	v31 =	vmax.f32 v24, v16;
	v34 =	vld [tilespmem:s19+$0x180]  }
0xf4: {  	v20 =	vmax.f32 v28, v20;
	s10 =	sand.u32 $0x70, s9;
	v30 =	vmax.f32 v22, v30;
	v22 =	vor.u32 $0x3, v11;
	v15 =	vld [tilespmem:s2+$0x0];
	s2 =	sor.u32 $0x380, s5;
	s5 =	sadd.s32 $0x20, s0  }
0xf5: {  	s6 =	sadd.s32 s20, s3;
	s3 =	sand.u32 $0x50, s4;
	s0 =	sand.u32 $0x40, s18;
	v28 =	vmax.f32 v30, v20;
	v35 =	vmax.f32 v25, v21;
	v21 =	vor.u32 $0x1, v6;
	v36 =	vld [tilespmem:s19+$0x100]  }
0xf6: {  	v38 =	vmov s4;
	s1 =	sshll.u32 s1, $0x6;
	v39 =	vor.u32 $0x2, v11;
	s7 =	sadd.s32 $0x10, s6;
	v35 =	vmax.f32 v28, v35;
	v37 =	vld [tilespmem:s2+$0x0];
	s2 =	sadd.s32 $0x30, s6  }
0xf7: {  	s25 =	sadd.s32 s20, s1;
	s1 =	sor.u32 $0x200, s7;
	vm6 =	vge.f32 v30, v35;
	vm4 =	vge.f32 v20, v35;
	v20 =	vor.u32 $0x2, v6;
	s4 =	sor.u32 $0x300, s2;
	v30 =	vld [tilespmem:s19+$0x80]  }
0xf8: {  	v40 =	vor.u32 $0x1, v11;
	s29 =	sor.u32 $0x200, s5;
	s6 =	sor.u32 $0x280, s2;
	vm3 =	vmneg vm6;
	v32 =	vmax.f32 v32, v33;
	v28 =	vld [tilespmem:s1+$0x0];
	s1 =	sor.u32 $0x300, s7;
	[tilespmem:v6+s13+$0x0] =	vst.idx.msk $0xffff, v29  }
0xf9: {  	v27 =	vmax.f32 v31, v27;
	s14 =	sor.u32 $0x280, s7;
	s8 =	sor.u32 $0x280, s5;
	vm3 =	vmand vm4, vm3;
	v18 =	vmax.f32 v18, v32;
	s7 =	sor.u32 s28, s20;
	v29 =	vld [tilespmem:s6+$0x0]  }
0xfa: {  	s23 =	sor.u32 $0x300, s5;
	s6 =	sand.u32 $0xC00, s20;
	v31 =	vsel vm3, $0x3F800000, v0;
	vm3 =	vge.f32 v23, v26;
	s24 =	sor.u32 $0x380, s7;
	v32 =	vld [tilespmem:s19+$0x0];
	v33 =	vmax.f32 v36, v34  }
0xfb: {  	vm10 =	vge.f32 v24, v27;
	vm7 =	vge.f32 v16, v27;
	vm5 =	vmor vm6, vm4;
	s15 =	sor.u32 $0x1000, s6;
	s16 =	sor.u32 $0x1100, s6;
	v34 =	vld [tilespmem:s1+$0x0];
	s1 =	sor.u32 $0x200, s2  }
0xfc: {  	vm9 =	vmneg vm10;
	vm8 =	vge.f32 v25, v35;
	vm4 =	vge.f32 v13, v27;
	s7 =	sor.u32 s9, s20;
	s5 =	sor.u32 s3, s15;
	s11 =	sor.u32 s3, s16;
	v16 =	vld [tilespmem:s1+$0x0]  }
0xfd: {  	vm11 =	vmneg vm5;
	vm5 =	vmor vm8, vm5;
	v13 =	vsel vm10, $0x3F800000, v0;
	s26 =	sor.u32 s0, s6;
	s2 =	sand.u32 $0x60, s28;
	s1 =	sor.u32 $0x200, s25;
	v23 =	vld [tilespmem:s4+$0x0]  }
0xfe: {  	vm8 =	vmand vm8, vm11;
	v27 =	vsel vm5, $0x0, v1;
	vm5 =	vmor vm10, vm7;
	s13 =	sor.u32 $0x1080, s6;
	s12 =	sor.u32 s10, s6;
	s30 =	sor.u32 s10, s15;
	v26 =	vld [tilespmem:s1+$0x0];
	[tilespmem:v14+s31+$0x0] =	vst.idx.msk $0xffff, v13  }
0xff: {  	s19 =	sor.u32 s2, s6;
	s4 =	sor.u32 s10, s16;
	s10 =	sor.u32 s10, s13;
	v13 =	vsel vm6, $0x3F800000, v0;
	vm6 =	vmneg vm5;
	v25 =	vld [tilespmem:s26+$0x100];
	v14 =	vmax.f32 v32, v30  }
0x100: {  	vm7 =	vmand vm7, vm9;
	v10 =	vmax.f32 v18, v10;
	s1 =	sor.u32 s3, s13;
	v30 =	vmax.f32 v34, v37;
	v32 =	vld [tilespmem:s4+$0x0];
	[tilespmem:v11+s31+$0x0] =	vst.idx.msk $0xffff, v13;
	s4 =	sor.u32 s0, s15;
	s31 =	sor.u32 s3, s6  }
0x101: {  	v9 =	vmax.f32 v12, v9;
	vm6 =	vmand vm4, vm6;
	v13 =	vmax.f32 v14, v33;
	s6 =	sor.u32 s0, s16;
	s3 =	sor.u32 s2, s15;
	v11 =	vld [tilespmem:s10+$0x0];
	s10 =	sor.u32 s2, s16  }
0x102: {  	vm1 =	vmor vm1, vm3;
	v14 =	vsel vm8, $0x3F800000, v0;
	v18 =	vmax.f32 v13, v10;
	v33 =	vld [tilespmem:s30+$0x0];
	s30 =	sor.u32 s0, s13;
	s0 =	sor.u32 s2, s13;
	s13 =	simm.s32 $0x2000  }
0x103: {  	s17 =	sadd.s32 $0x4, s17;
	v34 =	vshll.u32 v38, $0x7;
	vm8 =	vmneg vm1;
	v9 =	vmax.f32 v18, v9;
	v35 =	vld [tilespmem:s8+$0x0];
	[tilespmem:v40+s13+$0x0] =	vst.idx.msk $0xffff, v31  }
0x104: {  	p1 =	slt.u32 s17, $0x1C;
	vm8 =	vmand vm2, vm8;
	vm9 =	vge.f32 v13, v9;
	vm10 =	vge.f32 v10, v9;
	v18 =	vld [tilespmem:s14+$0x0];
	[tilespmem:v39+s13+$0x0] =	vst.idx.msk $0xffff, v14  }
0x105: {  	vm12 =	vge.f32 v12, v9;
	vm11 =	vmneg vm9;
	vm13 =	vmor vm9, vm10;
	v24 =	vld [tilespmem:s31+$0x0]  }
0x106: {  	v10 =	vsel vm7, $0x3F800000, v0;
	vm7 =	vmand vm10, vm11;
	vm10 =	vmneg vm13;
	v9 =	vld [tilespmem:s12+$0x180]  }
0x107: {  	v14 =	vmax.f32 v16, v29;
	v29 =	vmax.f32 v11, v32;
	v12 =	vld [tilespmem:s12+$0x0];
	[tilespmem:v8+s13+$0x0] =	vst.idx.msk $0xffff, v10;
	v8 =	vsel vm9, $0x3F800000, v0  }
0x108: {  	v16 =	vsel vm8, $0x3F800000, v0;
	v13 =	vsel vm7, $0x3F800000, v0;
	vm9 =	vmand vm12, vm10;
	v10 =	vld [tilespmem:s12+$0x80];
	[tilespmem:v22+s13+$0x0] =	vst.idx.msk $0xffff, v27  }
0x109: {  	vm0 =	vmand vm3, vm0;
	vm7 =	vmor vm12, vm13;
	v22 =	vmov s9;
	v27 =	vld [tilespmem:s12+$0x100];
	[tilespmem:v5+s13+$0x0] =	vst.idx.msk $0xffff, v8  }
0x10a: {  	v32 =	vshll.u32 v22, $0x7;
	v8 =	vsel vm9, $0x3F800000, v0;
	v5 =	vld [tilespmem:s5+$0x0];
	[tilespmem:v19+s13+$0x0] =	vst.idx.msk $0xffff, v13;
	v13 =	vsel vm0, $0x3F800000, v0  }
0x10b: {  	vm1 =	vmor vm2, vm1;
	v22 =	vmov s18;
	vm0 =	vmor vm4, vm5;
	v31 =	vld [tilespmem:s11+$0x0];
	[tilespmem:v7+s13+$0x0] =	vst.idx.msk $0xffff, v8  }
0x10c: {  	v6 =	vor.u32 $0x3, v6;
	v8 =	vmax.f32 v28, v18;
	v18 =	vsel vm7, $0x0, v1;
	v7 =	vld [tilespmem:s31+$0x180]  }
0x10d: {  	v8 =	vmax.f32 v8, v30;
	v19 =	vld [tilespmem:s29+$0x0];
	v12 =	vmax.f32 v12, v10;
	v10 =	vsel vm6, $0x3F800000, v0;
	[tilespmem:v21+s13+$0x0] =	vst.idx.msk $0xffff, v13  }
0x10e: {  	s2 =	sor.u32 $0x280, s25;
	v21 =	vmov s28;
	v13 =	vld [tilespmem:s31+$0x100];
	v27 =	vmax.f32 v27, v9;
	[tilespmem:v17+s13+$0x0] =	vst.idx.msk $0xffff, v10;
	v9 =	vsel vm0, $0x0, v1  }
0x10f: {  	v30 =	vshll.u32 v21, $0x7;
	v10 =	vld [tilespmem:s2+$0x0];
	s2 =	sor.u32 $0x300, s25;
	[tilespmem:v3+s13+$0x0] =	vst.idx.msk $0xffff, v18  }
0x110: {  	v3 =	vld [tilespmem:s2+$0x0];
	s2 =	sor.u32 $0x380, s7;
	[tilespmem:v4+s13+$0x0] =	vst.idx.msk $0xffff, v9;
	v4 =	vsel vm1, $0x0, v1  }
0x111: {  	v9 =	vld [tilespmem:s2+$0x0];
	[tilespmem:v20+s13+$0x0] =	vst.idx.msk $0xffff, v16  }
0x112: {  	v20 =	vld [tilespmem:s4+$0x0];
	v18 =	vmax.f32 v19, v35;
	[tilespmem:v6+s13+$0x0] =	vst.idx.msk $0xffff, v4  }
0x113: {  	v21 =	vld [tilespmem:s6+$0x0];
	v17 =	vmax.f32 v13, v7  }
0x114: {  	v16 =	vmax.f32 v8, v5;
	v13 =	vld [tilespmem:s1+$0x0]  }
0x115: {  	v4 =	vmax.f32 v26, v10;
	v3 =	vmax.f32 v3, v15;
	v10 =	vld [tilespmem:s3+$0x0]  }
0x116: {  	v7 =	vld [tilespmem:s26+$0x180];
	v28 =	vmax.f32 v4, v3;
	v3 =	vmax.f32 v23, v9  }
0x117: {  	v5 =	vor.u32 v2, v30;
	v9 =	vld [tilespmem:s10+$0x0];
	v3 =	vmax.f32 v14, v3  }
.Ltmp1:
0x118: {  	v4 =	vmax.f32 v12, v27;
	v14 =	vor.u32 v2, v34;
	v19 =	vld [tilespmem:s31+$0x80];
	v23 =	vmax.f32 v3, v33;
	(pc) =	sbr.rel @p1 .LBB2_4-.Ltmp1, $4  }
0x119: {  	v8 =	vor.u32 $0x1, v14;
	v15 =	vld [tilespmem:s26+$0x0];
	v27 =	vmax.f32 v13, v31;
	v6 =	vmax.f32 v4, v23  }
0x11a: {  	v3 =	vor.u32 $0x3, v5;
	v31 =	vld [tilespmem:s26+$0x80];
	v26 =	vmax.f32 v6, v29;
	v6 =	vor.u32 v2, v32  }
0x11b: {  	p0 =	por !p0, !p0;
	s18 =	sadd.s32 $0x40, s18;
	v30 =	vmax.f32 v25, v7;
	v12 =	vld [tilespmem:s0+$0x0];
	v7 =	vor.u32 $0x2, v5;
	vm1 =	vge.f32 v4, v26  }
0x11c: {  	s21 =	sadd.s32 $0x4, s21;
	s22 =	sadd.s32 $0x2, s22;
	s20 =	sadd.s32 $0x200, s20;
	v4 =	vor.u32 $0x3, v14;
	v25 =	vld [tilespmem:s30+$0x0];
	vm0 =	vmneg vm1;
	v29 =	vsel vm1, $0x3F800000, v0  }
0x11d: {  	v19 =	vmax.f32 v24, v19;
	v60 =	vld [tilespmem:s23+$0x0]  }
0x11e: {  	v32 =	vor.u32 $0x1, v5;
	vm2 =	vge.f32 v11, v26;
	v61 =	vshll.u32 v22, $0x7;
	v62 =	vld [tilespmem:s24+$0x0]  }
0x11f: {  	v63 =	vld [tilespmem:s19+$0x180];
	v20 =	vmax.f32 v28, v20;
	v35 =	vor.u32 $0x1, v6;
	v43 =	vor.u32 $0x2, v6  }
0x120: {  	v33 =	vld [tilespmem:s19+$0x100];
	v17 =	vmax.f32 v19, v17;
	v19 =	vor.u32 $0x2, v14;
	v11 =	vor.u32 v2, v61  }
0x121: {  	v15 =	vmax.f32 v15, v31;
	v40 =	vmax.f32 v17, v16;
	v34 =	vor.u32 $0x3, v11  }
0x122: {  	v42 =	vld [tilespmem:s19+$0x80];
	v41 =	vor.u32 $0x2, v11;
	v36 =	vor.u32 $0x1, v11;
	v15 =	vmax.f32 v15, v30  }
0x123: {  	v45 =	vld [tilespmem:s19+$0x0];
	v44 =	vmax.f32 v40, v27;
	v9 =	vmax.f32 v12, v9;
	v30 =	vmax.f32 v15, v20  }
0x124: {  	v21 =	vmax.f32 v25, v21;
	vm5 =	vge.f32 v17, v44;
	vm6 =	vge.f32 v16, v44  }
0x125: {  	v21 =	vmax.f32 v30, v21;
	v22 =	vmax.f32 v60, v62;
	v47 =	vmax.f32 v33, v63  }
0x126: {  	vm10 =	vmneg vm5;
	v48 =	vsel vm5, $0x3F800000, v0;
	vm5 =	vmor vm5, vm6  }
0x127: {  	vm7 =	vge.f32 v15, v21;
	vm3 =	vge.f32 v20, v21;
	v18 =	vmax.f32 v18, v22  }
0x128: {  	vm9 =	vge.f32 v25, v21;
	v15 =	vmax.f32 v45, v42;
	vm14 =	vmand vm6, vm10  }
0x129: {  	vm4 =	vmneg vm7;
	vm8 =	vmor vm7, vm3;
	v49 =	vsel vm7, $0x3F800000, v0  }
0x12a: {  	[tilespmem:v6+s13+$0x0] =	vst.idx.msk $0xffff, v29;
	v10 =	vmax.f32 v18, v10;
	v50 =	vmax.f32 v15, v47;
	v54 =	vsel vm14, $0x3F800000, v0  }
0x12b: {  	[tilespmem:v14+s13+$0x0] =	vst.idx.msk $0xffff, v48;
	vm4 =	vmand vm3, vm4;
	vm3 =	vge.f32 v13, v44;
	vm11 =	vmneg vm8  }
0x12c: {  	vm8 =	vmor vm9, vm8;
	[tilespmem:v11+s13+$0x0] =	vst.idx.msk $0xffff, v49;
	v52 =	vmax.f32 v50, v10;
	v46 =	vsel vm4, $0x3F800000, v0  }
0x12d: {  	[tilespmem:v8+s13+$0x0] =	vst.idx.msk $0xffff, v54;
	vm4 =	vge.f32 v23, v26;
	vm9 =	vmand vm9, vm11;
	v9 =	vmax.f32 v52, v9  }
0x12e: {  	v51 =	vsel vm8, $0x0, v1;
	v53 =	vsel vm9, $0x3F800000, v0;
	[tilespmem:v36+s13+$0x0] =	vst.idx.msk $0xffff, v46;
	vm8 =	vge.f32 v50, v9  }
0x12f: {  	vm15 =	vge.f32 v10, v9;
	vm10 =	vge.f32 v12, v9;
	vm9 =	vmneg vm5;
	[tilespmem:v41+s13+$0x0] =	vst.idx.msk $0xffff, v53  }
0x130: {  	vm0 =	vmand vm4, vm0;
	vm12 =	vmneg vm8;
	v55 =	vsel vm8, $0x3F800000, v0;
	[tilespmem:v34+s13+$0x0] =	vst.idx.msk $0xffff, v51  }
0x131: {  	vm13 =	vmor vm8, vm15;
	v58 =	vsel vm0, $0x3F800000, v0;
	vm7 =	vmand vm15, vm12;
	[tilespmem:v5+s13+$0x0] =	vst.idx.msk $0xffff, v55  }
0x132: {  	vm14 =	vmneg vm13;
	vm12 =	vmand vm3, vm9;
	[tilespmem:v35+s13+$0x0] =	vst.idx.msk $0xffff, v58;
	v56 =	vsel vm7, $0x3F800000, v0  }
0x133: {  	v59 =	vor.u32 $0x3, v6;
	vm15 =	vmand vm10, vm14;
	v60 =	vsel vm12, $0x3F800000, v0;
	[tilespmem:v32+s13+$0x0] =	vst.idx.msk $0xffff, v56  }
0x134: {  	vm1 =	vmor vm1, vm4;
	vm3 =	vmor vm3, vm5;
	v57 =	vsel vm15, $0x3F800000, v0;
	[tilespmem:v19+s13+$0x0] =	vst.idx.msk $0xffff, v60  }
0x135: {  	vm4 =	vmneg vm1;
	vm13 =	vmor vm10, vm13;
	v62 =	vsel vm3, $0x0, v1;
	[tilespmem:v7+s13+$0x0] =	vst.idx.msk $0xffff, v57  }
0x136: {  	v61 =	vsel vm13, $0x0, v1;
	vm14 =	vmand vm2, vm4;
	[tilespmem:v4+s13+$0x0] =	vst.idx.msk $0xffff, v62  }
0x137: {  	vm15 =	vmor vm2, vm1;
	[tilespmem:v3+s13+$0x0] =	vst.idx.msk $0xffff, v61;
	v3 =	vsel vm14, $0x3F800000, v0  }
0x138: {  	v63 =	vsel vm15, $0x0, v1;
	[tilespmem:v43+s13+$0x0] =	vst.idx.msk $0xffff, v3  }
0x139: {  	[tilespmem:v59+s13+$0x0] =	vst.idx.msk $0xffff, v63  }
0x13a: {  	s5 =	simm.s32 $0x0;
	s1 =	simm.s32 $0x3;
	s0 =	rddreg [dreg:$0x4]  }
0x13b: {  	[hbm4b:s0+s5] =	stream.linear.scatter [tilespmem:s13], [sflag:$0x3], $0x10000, $0x38;
	[tilespmem:$0x12000] =	vst v63  }
0x13c: {  	_ =	swait.ge [sflag:s1], $0x10000  }
0x13d: {  	s2 =	rddreg [dreg:$0x8]  }
0x13e: {  	s31 =	rddreg [dreg:$0x5];
	s2 =	sadd.s32 $0x1, s2  }
0x13f: {  	p0 =	sne.s32 s2, s31  }
.Ltmp2:
0x140: {  	_ = 	snop;
	(pc) =	sbr.rel @p0 .LBB2_1-.Ltmp2, $3  }
0x141: {  	_ =	sdelay $0x1  }
0x142: {  	[sflag:s1] =	ssyncset.done $0x0  }
0x143: {  	[sflag:s1] =	ssyncadd.s32 $0xFFFF0000  }
0x144: {  	_ =	sfence.sel $0x180000  }
0x145: {  	[bflag:$0x0] =	sbarrier.arrive $0xFFFF  }
0x146: {  	_ =	strace $0x90000047  }
0x147: {  	s0 =	stileid.u32;
	[bflag:$0x2] =	sbarrier.arrive $0xFFFF  }
0x148: {  	p0 =	sne.s32 s0, $0x0;
	s0 =	rddreg [dreg:$0x1]  }
0x149: {  	s0 =	sadd.s32 @!p0 $0x100000, s0  }
0x14a: {  	[sflag:s0] =	ssyncadd.tile.s32 @!p0 $0x1;
	_ =	shalt  }
.Lfunc_end2:
_tile_overlayer_lowered:
.L_overlay_start_2:
0x14b: {  	(tag) =	ssettag $0x2  }
0x14c: {  	s0 =	rddreg [dreg:$0x0];
	s2 =	stileid.u32  }
0x14d: {  	s1 =	rddreg [dreg:$0x1];
	p0 =	sne.s32 s2, $0x0  }
0x14e: {  	s3 =	rddreg [dreg:$0x2];
	[bflag:$0x3] =	sbarrier.arrive $0xFFFF;
	s2 =	simm.s32 @!p0 $0x1C03  }
0x14f: {  	[timem:s3], [sflag:s2] =	dma.local @!p0 [hbm:s0], s1  }
0x150: {  	s0 =	simm.s32 @!p0 $0x3  }
0x151: {  	_ =	swait.ge @!p0 [sflag:s0], s1  }
0x152: {  	s1 =	ssub.s32 @!p0 $0x0, s1;
	[sflag:s0] =	ssyncset.done @!p0 $0x0  }
0x153: {  	[sflag:s0] =	ssyncadd.s32 @!p0 s1  }
0x154: {  	[bflag:$0x3] =	sbarrier.arrive $0xFFFF  }
0x155: {  	_ =	shalt  }

</sc_bundles>
